<compile_context>
chip_gen: v7x
topology: tpu7x:2x2x1
jax: 0.10.2.dev20260603
libtpu: 0.0.44.dev20260713+nightly
codegen_flags: <defaults>
</compile_context>

<pallas_src>
import functools

import jax
import jax.numpy as jnp
from jax import lax
from jax.experimental import pallas as pl
from jax.experimental.pallas import tpu as pltpu
from jax.experimental.pallas import tpu_sc as plsc

N = 10000
D = 128
E = 320000

NC = 2
NS = 16
NW = NC * NS

EPW = E // NW
BLK = 125
NBLK = EPW // BLK
HBLK = NBLK // 2

KDEG = 8
RCHUNK = 400
NRCHUNK = N // RCHUNK

ROWS_TC = 1000
GRID_TC = N // ROWS_TC

_mesh = plsc.VectorSubcoreMesh(core_axis_name="c", subcore_axis_name="s")



@functools.partial(
    pl.kernel,
    mesh=_mesh,
    out_type=jax.ShapeDtypeStruct((NC, N, D), jnp.float32),
    scratch_types=[
        pltpu.VMEM((NBLK, BLK), jnp.int32),
        pltpu.VMEM((BLK, D), jnp.float32),
        pltpu.VMEM_SHARED((N, D), jnp.float32),
        pltpu.SemaphoreType.DMA,
    ],
)
def _deg_kernel(dst_hbm, ones_hbm, zeros_hbm, out_hbm, dst_v, ones_v, acc, sem):
    cid = lax.axis_index("c")
    sid = lax.axis_index("s")
    wid = sid * NC + cid

    @pl.loop(0, NRCHUNK)
    def _(ch):
        @pl.when(ch % NS == sid)
        def _():
            pltpu.sync_copy(zeros_hbm.at[pl.ds(ch * RCHUNK, RCHUNK)],
                            acc.at[pl.ds(ch * RCHUNK, RCHUNK)])

    pltpu.sync_copy(dst_hbm.at[wid], dst_v)
    pltpu.sync_copy(ones_hbm, ones_v)
    plsc.subcore_barrier()

    @pl.loop(0, NBLK // KDEG)
    def _(jb):
        for k in range(KDEG):
            pltpu.async_copy(ones_v, acc.at[dst_v.at[jb * KDEG + k]],
                             sem, add=True)
        for k in range(KDEG):
            pltpu.make_async_copy(ones_v, acc.at[dst_v.at[jb * KDEG + k]],
                                  sem).wait()
    for j in range((NBLK // KDEG) * KDEG, NBLK):
        pltpu.sync_copy(ones_v, acc.at[dst_v.at[j]], add=True)

    plsc.subcore_barrier()

    @pl.loop(0, NRCHUNK)
    def _(ch):
        @pl.when(ch % NS == sid)
        def _():
            pltpu.sync_copy(acc.at[pl.ds(ch * RCHUNK, RCHUNK)],
                            out_hbm.at[cid, pl.ds(ch * RCHUNK, RCHUNK)])


NBUF = 2
NFULL = (NBLK // NBUF) * NBUF


@functools.partial(
    pl.kernel,
    mesh=_mesh,
    out_type=jax.ShapeDtypeStruct((NC, N, D), jnp.float32),
    scratch_types=[
        pltpu.VMEM((NBLK, BLK), jnp.int32),
        pltpu.VMEM((HBLK, BLK), jnp.int32),
        pltpu.VMEM((BLK, D), jnp.float32),
        pltpu.VMEM((BLK, D), jnp.float32),
        pltpu.VMEM_SHARED((N, D), jnp.float32),
        pltpu.SemaphoreType.DMA,
        pltpu.SemaphoreType.DMA,
    ],
)
def _agg_kernel(y_hbm, src_hbm, dst_hbm, zeros_hbm, out_hbm,
                src_v, dst_v, rows0, rows1, acc, sem0, sem1):
    cid = lax.axis_index("c")
    sid = lax.axis_index("s")
    wid = sid * NC + cid
    rows = [rows0, rows1]
    sems = [sem0, sem1]

    @pl.loop(0, NRCHUNK)
    def _(ch):
        @pl.when(ch % NS == sid)
        def _():
            pltpu.sync_copy(zeros_hbm.at[pl.ds(ch * RCHUNK, RCHUNK)],
                            acc.at[pl.ds(ch * RCHUNK, RCHUNK)])

    pltpu.sync_copy(src_hbm.at[wid], src_v)
    pltpu.sync_copy(dst_hbm.at[wid, pl.ds(0, HBLK)], dst_v)
    plsc.subcore_barrier()

    for b in range(NBUF):
        pltpu.async_copy(y_hbm.at[src_v.at[b]], rows[b], sems[b])

    @pl.loop(0, NFULL, step=NBUF)
    def _(g):
        for b in range(NBUF):
            j = g + b
            if b == 0:
                @pl.when(g == HBLK)
                def _():
                    pltpu.sync_copy(dst_hbm.at[wid, pl.ds(HBLK, HBLK)], dst_v)
            pltpu.make_async_copy(y_hbm.at[src_v.at[j]],
                                  rows[b], sems[b]).wait()
            pltpu.sync_copy(rows[b], acc.at[dst_v.at[j % HBLK]], add=True)

            @pl.when(j + NBUF < NBLK)
            def _():
                pltpu.async_copy(y_hbm.at[src_v.at[j + NBUF]],
                                 rows[b], sems[b])

    for j in range(NFULL, NBLK):
        b = j % NBUF
        pltpu.make_async_copy(y_hbm.at[src_v.at[j]], rows[b], sems[b]).wait()
        pltpu.sync_copy(rows[b], acc.at[dst_v.at[j % HBLK]], add=True)

    plsc.subcore_barrier()

    @pl.loop(0, NRCHUNK)
    def _(ch):
        @pl.when(ch % NS == sid)
        def _():
            pltpu.sync_copy(acc.at[pl.ds(ch * RCHUNK, RCHUNK)],
                            out_hbm.at[cid, pl.ds(ch * RCHUNK, RCHUNK)])



def _matmul_body(x_ref, w_ref, o_ref):
    o_ref[...] = jnp.dot(x_ref[...], w_ref[...],
                         preferred_element_type=jnp.float32)


def _matmul(x, w):
    return pl.pallas_call(
        _matmul_body,
        grid=(GRID_TC,),
        in_specs=[
            pl.BlockSpec((ROWS_TC, D), lambda i: (i, 0)),
            pl.BlockSpec((D, D), lambda i: (0, 0)),
        ],
        out_specs=pl.BlockSpec((ROWS_TC, D), lambda i: (i, 0)),
        out_shape=jax.ShapeDtypeStruct((N, D), jnp.float32),
    )(x, w)


def _scale_body(degp_ref, xw_ref, y_ref, dis_ref):
    deg = degp_ref[0, :, 0:1] + degp_ref[1, :, 0:1]
    dis = lax.rsqrt(deg + 1.0)
    y_ref[...] = xw_ref[...] * dis
    dis_ref[...] = jnp.broadcast_to(dis, dis_ref.shape)


def _scale(deg_partials, xw):
    return pl.pallas_call(
        _scale_body,
        grid=(GRID_TC,),
        in_specs=[
            pl.BlockSpec((NC, ROWS_TC, D), lambda i: (0, i, 0)),
            pl.BlockSpec((ROWS_TC, D), lambda i: (i, 0)),
        ],
        out_specs=[
            pl.BlockSpec((ROWS_TC, D), lambda i: (i, 0)),
            pl.BlockSpec((ROWS_TC, 16), lambda i: (i, 0)),
        ],
        out_shape=[
            jax.ShapeDtypeStruct((N, D), jnp.float32),
            jax.ShapeDtypeStruct((N, 16), jnp.float32),
        ],
    )(deg_partials, xw)


def _mid_body(pa_ref, y_ref, dis_ref, b_ref, w_ref, y2_ref):
    agg = pa_ref[0] + pa_ref[1] + y_ref[...]
    dis = dis_ref[:, 0:1]
    h = jnp.maximum(agg * dis + b_ref[...], 0.0)
    y2_ref[...] = jnp.dot(h, w_ref[...],
                          preferred_element_type=jnp.float32) * dis


def _mid(partials, y, dis16, b, w):
    return pl.pallas_call(
        _mid_body,
        grid=(GRID_TC,),
        in_specs=[
            pl.BlockSpec((NC, ROWS_TC, D), lambda i: (0, i, 0)),
            pl.BlockSpec((ROWS_TC, D), lambda i: (i, 0)),
            pl.BlockSpec((ROWS_TC, 16), lambda i: (i, 0)),
            pl.BlockSpec((1, D), lambda i: (0, 0)),
            pl.BlockSpec((D, D), lambda i: (0, 0)),
        ],
        out_specs=pl.BlockSpec((ROWS_TC, D), lambda i: (i, 0)),
        out_shape=jax.ShapeDtypeStruct((N, D), jnp.float32),
    )(partials, y, dis16, b, w)


def _final_body(pa_ref, y_ref, dis_ref, b_ref, o_ref):
    agg = pa_ref[0] + pa_ref[1] + y_ref[...]
    o_ref[...] = agg * dis_ref[:, 0:1] + b_ref[...]


def _final(partials, y, dis16, b):
    return pl.pallas_call(
        _final_body,
        grid=(GRID_TC,),
        in_specs=[
            pl.BlockSpec((NC, ROWS_TC, D), lambda i: (0, i, 0)),
            pl.BlockSpec((ROWS_TC, D), lambda i: (i, 0)),
            pl.BlockSpec((ROWS_TC, 16), lambda i: (i, 0)),
            pl.BlockSpec((1, D), lambda i: (0, 0)),
        ],
        out_specs=pl.BlockSpec((ROWS_TC, D), lambda i: (i, 0)),
        out_shape=jax.ShapeDtypeStruct((N, D), jnp.float32),
    )(partials, y, dis16, b)



def kernel(x, edge_index, W1, b1, W2, b2):
    srcA = edge_index[0].astype(jnp.int32).reshape(NW, NBLK, BLK)
    dst = edge_index[1].astype(jnp.int32).reshape(NW, NBLK, BLK)
    ones128 = jnp.ones((BLK, D), jnp.float32)
    zeros128 = jnp.zeros((N, D), jnp.float32)
    b1r = b1.reshape(1, D)
    b2r = b2.reshape(1, D)

    deg_partials = _deg_kernel(dst, ones128, zeros128)
    xw1 = _matmul(x, W1)
    y1, dis16 = _scale(deg_partials, xw1)
    p1 = _agg_kernel(y1, srcA, dst, zeros128)
    y2 = _mid(p1, y1, dis16, b1r, W2)
    p2 = _agg_kernel(y2, srcA, dst, zeros128)
    return _final(p2, y2, dis16, b2r)

# --- scband reference (transcript-rebuilt; emitter-appended) ---
"""Pipeline reference for scband-gcn-87273735454854 (READ-ONLY COPY).

The authoritative reference and input builder live on the scoring server;
editing this copy changes nothing except your own understanding.
"""

import jax, jax.numpy as jnp
import numpy as np

N_NODES = 10000
D_IN = 128
D_HID = 128
D_OUT = 128
N_EDGES = 320000


def setup_inputs(seed: int = 0) -> dict:
    key = jax.random.key(seed)
    k1, k2, k3, k4, k5, k6 = jax.random.split(key, 6)
    x = jax.random.normal(k1, (N_NODES, D_IN), dtype=jnp.float32)
    edge_index = jax.random.randint(k2, (2, N_EDGES), 0, N_NODES, dtype=jnp.int64)
    # Glorot-style init for GCNConv weights, zeros for biases (matches PyG defaults)
    s1 = (6.0 / (D_IN + D_HID)) ** 0.5
    W1 = jax.random.uniform(k3, (D_IN, D_HID), dtype=jnp.float32, minval=-s1, maxval=s1)
    b1 = jnp.zeros((D_HID,), dtype=jnp.float32)
    s2 = (6.0 / (D_HID + D_OUT)) ** 0.5
    W2 = jax.random.uniform(k4, (D_HID, D_OUT), dtype=jnp.float32, minval=-s2, maxval=s2)
    b2 = jnp.zeros((D_OUT,), dtype=jnp.float32)
    return {"x": x, "edge_index": edge_index, "W1": W1, "b1": b1, "W2": W2, "b2": b2}


def _gcn_conv(x, src, dst, W, b, n_nodes):
    # x: [N, d_in], src/dst: [E+N] (self-loops already appended)
    xw = x @ W  # [N, d_out]
    deg = jnp.zeros((n_nodes,), dtype=xw.dtype).at[dst].add(1.0)
    deg_inv_sqrt = jnp.where(deg > 0, 1.0 / jnp.sqrt(deg), 0.0)
    norm = deg_inv_sqrt[src] * deg_inv_sqrt[dst]  # [E+N]
    msg = jnp.take(xw, src, axis=0) * norm[:, None]  # gather
    out = jnp.zeros((n_nodes, xw.shape[1]), dtype=xw.dtype).at[dst].add(msg)  # scatter-add
    return out + b


def reference(x, edge_index, W1, b1, W2, b2):
    n_nodes = x.shape[0]
    loop = jnp.arange(n_nodes, dtype=edge_index.dtype)
    src = jnp.concatenate([edge_index[0], loop])
    dst = jnp.concatenate([edge_index[1], loop])
    h = _gcn_conv(x, src, dst, W1, b1, n_nodes)
    h = jax.nn.relu(h)
    out = _gcn_conv(h, src, dst, W2, b2, n_nodes)
    return out

if __name__ == "__main__":
    import jax
    _d = setup_inputs()
    print(jax.jit(kernel)(*tuple(_d.values())))

</pallas_src>

<mosaic_0001>
#map = affine_map<(d0, d1) -> (0, 0)>
#map1 = affine_map<(d0, d1) -> (0, 0, 0)>
module attributes {stable_mosaic.version = 14 : i64} {
  func.func @_agg_kernel(%arg0: i32, %arg1: i32, %arg2: memref<10000x128xf32, #tpu.memory_space<hbm>>, %arg3: memref<32x80x125xi32, #tpu.memory_space<hbm>>, %arg4: memref<32x80x125xi32, #tpu.memory_space<hbm>>, %arg5: memref<10000x128xf32, #tpu.memory_space<hbm>>, %arg6: memref<2x10000x128xf32, #tpu.memory_space<hbm>>, %arg7: memref<80x125xi32, #tpu.memory_space<vmem>>, %arg8: memref<40x125xi32, #tpu.memory_space<vmem>>, %arg9: memref<125x128xf32, #tpu.memory_space<vmem>>, %arg10: memref<125x128xf32, #tpu.memory_space<vmem>>, %arg11: memref<10000x128xf32, #tpu.memory_space<vmem_shared>>, %arg12: memref<!tpu.dma_semaphore, #tpu.memory_space<semaphore_mem>>, %arg13: memref<!tpu.dma_semaphore, #tpu.memory_space<semaphore_mem>>) attributes {dimension_semantics = [#tpu.dimension_semantics<core_parallel>, #tpu.dimension_semantics<subcore_parallel>], iteration_bounds = array<i64: 2, 16>, scalar_prefetch = 0 : i64, scratch_operands = 7 : i64, tpu.core_type = #tpu.core_type<sc_vector_subcore>, window_params = [{transform_indices = #map}, {transform_indices = #map1}, {transform_indices = #map1}, {transform_indices = #map}, {transform_indices = #map1}]} {
    %mul3A = arith.constant 2 : i32
    %mul3A_0 = arith.muli %arg1, %mul3A : i32
    %add3A = arith.addi %mul3A_0, %arg0 : i32
    %scan3A = arith.constant 0 : i32
    %scan3A_1 = arith.constant 25 : i32
    %scan3A_2 = arith.addi %scan3A, %scan3A_1 : i32
    %scan3A_3 = arith.constant 1 : i32
    scf.for %scan3A_29 = %scan3A to %scan3A_2 step %scan3A_3  : i32 {
      %mul3A_30 = arith.constant 1 : i32
      %mul3A_31 = arith.muli %scan3A_29, %mul3A_30 : i32
      %add3A_32 = arith.constant 0 : i32
      %add3A_33 = arith.addi %add3A_32, %mul3A_31 : i32
      %jit3A = arith.constant 16 : i32
      %eq3A = arith.constant 0 : i32
      %eq3A_34 = arith.cmpi eq, %jit3A, %eq3A : i32
      %jit3A_35 = arith.constant 1 : i32
      %select_n3A = arith.select %eq3A_34, %jit3A_35, %jit3A : i32
      %rem3A = arith.remsi %add3A_33, %select_n3A : i32
      %ne3A = arith.constant 0 : i32
      %ne3A_36 = arith.cmpi ne, %rem3A, %ne3A : i32
      %lt3A = arith.constant 0 : i32
      %lt3A_37 = arith.cmpi slt, %rem3A, %lt3A : i32
      %lt3A_38 = arith.constant 0 : i32
      %lt3A_39 = arith.cmpi slt, %select_n3A, %lt3A_38 : i32
      %ne3A_40 = arith.xori %lt3A_37, %lt3A_39 : i1
      %and3A = arith.andi %ne3A_40, %ne3A_36 : i1
      %add3A_41 = arith.addi %rem3A, %select_n3A : i32
      %select_n3A_42 = arith.select %and3A, %add3A_41, %rem3A : i32
      %eq3A_43 = arith.cmpi eq, %select_n3A_42, %arg1 : i32
      %convert_element_type3A = arith.extui %eq3A_43 : i1 to i32
      %cond3A = arith.constant 0 : i32
      %cond3A_44 = arith.cmpi ne, %convert_element_type3A, %cond3A : i32
      scf.if %cond3A_44 {
        %mul3A_45 = arith.constant 400 : i32
        %mul3A_46 = arith.muli %add3A_33, %mul3A_45 : i32
        %mul3A_47 = arith.constant 400 : i32
        %mul3A_48 = arith.muli %add3A_33, %mul3A_47 : i32
        "tpu.region"() ({
          %run_scoped3A = tpu.sem_alloc : memref<!tpu.dma_semaphore, #tpu.memory_space<semaphore_mem>>
          %dma_start3A_49 = arith.constant 0 : i32
          %dma_start3A_50 = tpu.memref_slice %arg11[%mul3A_48, %dma_start3A_49] : memref<10000x128xf32, #tpu.memory_space<vmem_shared>> -> memref<400x128xf32, #tpu.memory_space<vmem_shared>>
          %dma_start3A_51 = arith.constant 0 : i32
          %dma_start3A_52 = tpu.memref_slice %arg5[%mul3A_46, %dma_start3A_51] : memref<10000x128xf32, #tpu.memory_space<hbm>> -> memref<400x128xf32, #tpu.memory_space<hbm>>
          tpu.enqueue_dma source(%dma_start3A_52 : memref<400x128xf32, #tpu.memory_space<hbm>>) target(%dma_start3A_50 : memref<400x128xf32, #tpu.memory_space<vmem_shared>>) target_semaphore(%run_scoped3A : memref<!tpu.dma_semaphore, #tpu.memory_space<semaphore_mem>>)
          %dma_wait3A = arith.constant 0 : i32
          %dma_wait3A_53 = tpu.memref_slice %arg11[%mul3A_48, %dma_wait3A] : memref<10000x128xf32, #tpu.memory_space<vmem_shared>> -> memref<400x128xf32, #tpu.memory_space<vmem_shared>>
          %dma_wait3A_54 = arith.constant 0 : i32
          %dma_wait3A_55 = tpu.memref_slice %arg5[%mul3A_46, %dma_wait3A_54] : memref<10000x128xf32, #tpu.memory_space<hbm>> -> memref<400x128xf32, #tpu.memory_space<hbm>>
          tpu.wait_dma2 semaphore(%run_scoped3A : memref<!tpu.dma_semaphore, #tpu.memory_space<semaphore_mem>>) src(%dma_wait3A_55 : memref<400x128xf32, #tpu.memory_space<hbm>>) dst(%dma_wait3A_53 : memref<400x128xf32, #tpu.memory_space<vmem_shared>>)
          tpu.yield
        }) : () -> ()
      } else {
      }
    }
    %scan3A_4 = arith.constant 25 : i32
    "tpu.region"() ({
      %run_scoped3A = tpu.sem_alloc : memref<!tpu.dma_semaphore, #tpu.memory_space<semaphore_mem>>
      %dma_start3A_29 = arith.constant 0 : i32
      %dma_start3A_30 = arith.constant 0 : i32
      %dma_start3A_31 = tpu.memref_slice %arg3[%add3A, %dma_start3A_29, %dma_start3A_30] : memref<32x80x125xi32, #tpu.memory_space<hbm>> -> memref<1x80x125xi32, #tpu.memory_space<hbm>>
      %dma_start3A_32 = tpu.memref_squeeze %dma_start3A_31 : memref<1x80x125xi32, #tpu.memory_space<hbm>> -> memref<80x125xi32, #tpu.memory_space<hbm>>
      %dma_start3A_33 = arith.constant 0 : i32
      %dma_start3A_34 = arith.constant 0 : i32
      %dma_start3A_35 = tpu.memref_slice %arg3[%add3A, %dma_start3A_33, %dma_start3A_34] : memref<32x80x125xi32, #tpu.memory_space<hbm>> -> memref<1x80x125xi32, #tpu.memory_space<hbm>>
      %dma_start3A_36 = tpu.memref_squeeze %dma_start3A_35 : memref<1x80x125xi32, #tpu.memory_space<hbm>> -> memref<80x125xi32, #tpu.memory_space<hbm>>
      tpu.enqueue_dma source(%dma_start3A_36 : memref<80x125xi32, #tpu.memory_space<hbm>>) target(%arg7 : memref<80x125xi32, #tpu.memory_space<vmem>>) target_semaphore(%run_scoped3A : memref<!tpu.dma_semaphore, #tpu.memory_space<semaphore_mem>>)
      %dma_wait3A = arith.constant 0 : i32
      %dma_wait3A_37 = arith.constant 0 : i32
      %dma_wait3A_38 = tpu.memref_slice %arg3[%add3A, %dma_wait3A, %dma_wait3A_37] : memref<32x80x125xi32, #tpu.memory_space<hbm>> -> memref<1x80x125xi32, #tpu.memory_space<hbm>>
      %dma_wait3A_39 = tpu.memref_squeeze %dma_wait3A_38 : memref<1x80x125xi32, #tpu.memory_space<hbm>> -> memref<80x125xi32, #tpu.memory_space<hbm>>
      %dma_wait3A_40 = arith.constant 0 : i32
      %dma_wait3A_41 = arith.constant 0 : i32
      %dma_wait3A_42 = tpu.memref_slice %arg3[%add3A, %dma_wait3A_40, %dma_wait3A_41] : memref<32x80x125xi32, #tpu.memory_space<hbm>> -> memref<1x80x125xi32, #tpu.memory_space<hbm>>
      %dma_wait3A_43 = tpu.memref_squeeze %dma_wait3A_42 : memref<1x80x125xi32, #tpu.memory_space<hbm>> -> memref<80x125xi32, #tpu.memory_space<hbm>>
      tpu.wait_dma2 semaphore(%run_scoped3A : memref<!tpu.dma_semaphore, #tpu.memory_space<semaphore_mem>>) src(%dma_wait3A_43 : memref<80x125xi32, #tpu.memory_space<hbm>>) dst(%arg7 : memref<80x125xi32, #tpu.memory_space<vmem>>)
      tpu.yield
    }) : () -> ()
    "tpu.region"() ({
      %run_scoped3A = tpu.sem_alloc : memref<!tpu.dma_semaphore, #tpu.memory_space<semaphore_mem>>
      %dma_start3A_29 = arith.constant 0 : i32
      %dma_start3A_30 = arith.constant 0 : i32
      %dma_start3A_31 = tpu.memref_slice %arg4[%add3A, %dma_start3A_29, %dma_start3A_30] : memref<32x80x125xi32, #tpu.memory_space<hbm>> -> memref<1x40x125xi32, #tpu.memory_space<hbm>>
      %dma_start3A_32 = tpu.memref_squeeze %dma_start3A_31 : memref<1x40x125xi32, #tpu.memory_space<hbm>> -> memref<40x125xi32, #tpu.memory_space<hbm>>
      %dma_start3A_33 = arith.constant 0 : i32
      %dma_start3A_34 = arith.constant 0 : i32
      %dma_start3A_35 = tpu.memref_slice %arg4[%add3A, %dma_start3A_33, %dma_start3A_34] : memref<32x80x125xi32, #tpu.memory_space<hbm>> -> memref<1x40x125xi32, #tpu.memory_space<hbm>>
      %dma_start3A_36 = tpu.memref_squeeze %dma_start3A_35 : memref<1x40x125xi32, #tpu.memory_space<hbm>> -> memref<40x125xi32, #tpu.memory_space<hbm>>
      tpu.enqueue_dma source(%dma_start3A_36 : memref<40x125xi32, #tpu.memory_space<hbm>>) target(%arg8 : memref<40x125xi32, #tpu.memory_space<vmem>>) target_semaphore(%run_scoped3A : memref<!tpu.dma_semaphore, #tpu.memory_space<semaphore_mem>>)
      %dma_wait3A = arith.constant 0 : i32
      %dma_wait3A_37 = arith.constant 0 : i32
      %dma_wait3A_38 = tpu.memref_slice %arg4[%add3A, %dma_wait3A, %dma_wait3A_37] : memref<32x80x125xi32, #tpu.memory_space<hbm>> -> memref<1x40x125xi32, #tpu.memory_space<hbm>>
      %dma_wait3A_39 = tpu.memref_squeeze %dma_wait3A_38 : memref<1x40x125xi32, #tpu.memory_space<hbm>> -> memref<40x125xi32, #tpu.memory_space<hbm>>
      %dma_wait3A_40 = arith.constant 0 : i32
      %dma_wait3A_41 = arith.constant 0 : i32
      %dma_wait3A_42 = tpu.memref_slice %arg4[%add3A, %dma_wait3A_40, %dma_wait3A_41] : memref<32x80x125xi32, #tpu.memory_space<hbm>> -> memref<1x40x125xi32, #tpu.memory_space<hbm>>
      %dma_wait3A_43 = tpu.memref_squeeze %dma_wait3A_42 : memref<1x40x125xi32, #tpu.memory_space<hbm>> -> memref<40x125xi32, #tpu.memory_space<hbm>>
      tpu.wait_dma2 semaphore(%run_scoped3A : memref<!tpu.dma_semaphore, #tpu.memory_space<semaphore_mem>>) src(%dma_wait3A_43 : memref<40x125xi32, #tpu.memory_space<hbm>>) dst(%arg8 : memref<40x125xi32, #tpu.memory_space<vmem>>)
      tpu.yield
    }) : () -> ()
    %barrier3A = arith.constant 0 : index
    tpu.barrier barrier_id(%barrier3A)
    %dma_start3A = arith.constant 0 : i32
    %dma_start3A_5 = arith.constant 0 : i32
    %dma_start3A_6 = tpu.memref_slice %arg7[%dma_start3A, %dma_start3A_5] : memref<80x125xi32, #tpu.memory_space<vmem>> -> memref<1x125xi32, #tpu.memory_space<vmem>>
    %dma_start3A_7 = tpu.memref_squeeze %dma_start3A_6 : memref<1x125xi32, #tpu.memory_space<vmem>> -> memref<125xi32, #tpu.memory_space<vmem>>
    %dma_start3A_8 = arith.constant 0 : i32
    %dma_start3A_9 = arith.constant 0 : i32
    %dma_start3A_10 = tpu.memref_slice %arg2[%dma_start3A_8, %dma_start3A_9] : memref<10000x128xf32, #tpu.memory_space<hbm>> -> memref<10000x128xf32, #tpu.memory_space<hbm>>
    tpu.enqueue_indirect_dma source(%dma_start3A_10 : memref<10000x128xf32, #tpu.memory_space<hbm>>) target(%arg9 : memref<125x128xf32, #tpu.memory_space<vmem>>) offsets(%dma_start3A_7 : memref<125xi32, #tpu.memory_space<vmem>>) semaphore(%arg12 : memref<!tpu.dma_semaphore, #tpu.memory_space<semaphore_mem>>)
    %dma_start3A_11 = arith.constant 1 : i32
    %dma_start3A_12 = arith.constant 0 : i32
    %dma_start3A_13 = tpu.memref_slice %arg7[%dma_start3A_11, %dma_start3A_12] : memref<80x125xi32, #tpu.memory_space<vmem>> -> memref<1x125xi32, #tpu.memory_space<vmem>>
    %dma_start3A_14 = tpu.memref_squeeze %dma_start3A_13 : memref<1x125xi32, #tpu.memory_space<vmem>> -> memref<125xi32, #tpu.memory_space<vmem>>
    %dma_start3A_15 = arith.constant 0 : i32
    %dma_start3A_16 = arith.constant 0 : i32
    %dma_start3A_17 = tpu.memref_slice %arg2[%dma_start3A_15, %dma_start3A_16] : memref<10000x128xf32, #tpu.memory_space<hbm>> -> memref<10000x128xf32, #tpu.memory_space<hbm>>
    tpu.enqueue_indirect_dma source(%dma_start3A_17 : memref<10000x128xf32, #tpu.memory_space<hbm>>) target(%arg10 : memref<125x128xf32, #tpu.memory_space<vmem>>) offsets(%dma_start3A_14 : memref<125xi32, #tpu.memory_space<vmem>>) semaphore(%arg13 : memref<!tpu.dma_semaphore, #tpu.memory_space<semaphore_mem>>)
    %scan3A_18 = arith.constant 0 : i32
    %scan3A_19 = arith.constant 40 : i32
    %scan3A_20 = arith.addi %scan3A_18, %scan3A_19 : i32
    %scan3A_21 = arith.constant 1 : i32
    scf.for %scan3A_29 = %scan3A_18 to %scan3A_20 step %scan3A_21  : i32 {
      %mul3A_30 = arith.constant 2 : i32
      %mul3A_31 = arith.muli %scan3A_29, %mul3A_30 : i32
      %add3A_32 = arith.constant 0 : i32
      %add3A_33 = arith.addi %add3A_32, %mul3A_31 : i32
      %add3A_34 = arith.constant 0 : i32
      %add3A_35 = arith.addi %add3A_33, %add3A_34 : i32
      %eq3A = arith.constant 40 : i32
      %eq3A_36 = arith.cmpi eq, %add3A_33, %eq3A : i32
      %convert_element_type3A = arith.extui %eq3A_36 : i1 to i32
      %cond3A = arith.constant 0 : i32
      %cond3A_37 = arith.cmpi ne, %convert_element_type3A, %cond3A : i32
      scf.if %cond3A_37 {
        "tpu.region"() ({
          %run_scoped3A = tpu.sem_alloc : memref<!tpu.dma_semaphore, #tpu.memory_space<semaphore_mem>>
          %dma_start3A_91 = arith.constant 40 : i32
          %dma_start3A_92 = arith.constant 0 : i32
          %dma_start3A_93 = tpu.memref_slice %arg4[%add3A, %dma_start3A_91, %dma_start3A_92] : memref<32x80x125xi32, #tpu.memory_space<hbm>> -> memref<1x40x125xi32, #tpu.memory_space<hbm>>
          %dma_start3A_94 = tpu.memref_squeeze %dma_start3A_93 : memref<1x40x125xi32, #tpu.memory_space<hbm>> -> memref<40x125xi32, #tpu.memory_space<hbm>>
          %dma_start3A_95 = arith.constant 40 : i32
          %dma_start3A_96 = arith.constant 0 : i32
          %dma_start3A_97 = tpu.memref_slice %arg4[%add3A, %dma_start3A_95, %dma_start3A_96] : memref<32x80x125xi32, #tpu.memory_space<hbm>> -> memref<1x40x125xi32, #tpu.memory_space<hbm>>
          %dma_start3A_98 = tpu.memref_squeeze %dma_start3A_97 : memref<1x40x125xi32, #tpu.memory_space<hbm>> -> memref<40x125xi32, #tpu.memory_space<hbm>>
          tpu.enqueue_dma source(%dma_start3A_98 : memref<40x125xi32, #tpu.memory_space<hbm>>) target(%arg8 : memref<40x125xi32, #tpu.memory_space<vmem>>) target_semaphore(%run_scoped3A : memref<!tpu.dma_semaphore, #tpu.memory_space<semaphore_mem>>)
          %dma_wait3A_99 = arith.constant 40 : i32
          %dma_wait3A_100 = arith.constant 0 : i32
          %dma_wait3A_101 = tpu.memref_slice %arg4[%add3A, %dma_wait3A_99, %dma_wait3A_100] : memref<32x80x125xi32, #tpu.memory_space<hbm>> -> memref<1x40x125xi32, #tpu.memory_space<hbm>>
          %dma_wait3A_102 = tpu.memref_squeeze %dma_wait3A_101 : memref<1x40x125xi32, #tpu.memory_space<hbm>> -> memref<40x125xi32, #tpu.memory_space<hbm>>
          %dma_wait3A_103 = arith.constant 40 : i32
          %dma_wait3A_104 = arith.constant 0 : i32
          %dma_wait3A_105 = tpu.memref_slice %arg4[%add3A, %dma_wait3A_103, %dma_wait3A_104] : memref<32x80x125xi32, #tpu.memory_space<hbm>> -> memref<1x40x125xi32, #tpu.memory_space<hbm>>
          %dma_wait3A_106 = tpu.memref_squeeze %dma_wait3A_105 : memref<1x40x125xi32, #tpu.memory_space<hbm>> -> memref<40x125xi32, #tpu.memory_space<hbm>>
          tpu.wait_dma2 semaphore(%run_scoped3A : memref<!tpu.dma_semaphore, #tpu.memory_space<semaphore_mem>>) src(%dma_wait3A_106 : memref<40x125xi32, #tpu.memory_space<hbm>>) dst(%arg8 : memref<40x125xi32, #tpu.memory_space<vmem>>)
          tpu.yield
        }) : () -> ()
      } else {
      }
      %dma_wait3A = arith.constant 0 : i32
      %dma_wait3A_38 = tpu.memref_slice %arg7[%add3A_35, %dma_wait3A] : memref<80x125xi32, #tpu.memory_space<vmem>> -> memref<1x125xi32, #tpu.memory_space<vmem>>
      %dma_wait3A_39 = tpu.memref_squeeze %dma_wait3A_38 : memref<1x125xi32, #tpu.memory_space<vmem>> -> memref<125xi32, #tpu.memory_space<vmem>>
      %dma_wait3A_40 = arith.constant 0 : i32
      %dma_wait3A_41 = arith.constant 0 : i32
      %dma_wait3A_42 = tpu.memref_slice %arg2[%dma_wait3A_40, %dma_wait3A_41] : memref<10000x128xf32, #tpu.memory_space<hbm>> -> memref<10000x128xf32, #tpu.memory_space<hbm>>
      tpu.wait_indirect_dma semaphore(%arg12 : memref<!tpu.dma_semaphore, #tpu.memory_space<semaphore_mem>>) src(%dma_wait3A_42 : memref<10000x128xf32, #tpu.memory_space<hbm>>) dst(%arg9 : memref<125x128xf32, #tpu.memory_space<vmem>>)
      %jit3A = arith.constant 40 : i32
      %eq3A_43 = arith.constant 0 : i32
      %eq3A_44 = arith.cmpi eq, %jit3A, %eq3A_43 : i32
      %jit3A_45 = arith.constant 1 : i32
      %select_n3A = arith.select %eq3A_44, %jit3A_45, %jit3A : i32
      %rem3A = arith.remsi %add3A_35, %select_n3A : i32
      %ne3A = arith.constant 0 : i32
      %ne3A_46 = arith.cmpi ne, %rem3A, %ne3A : i32
      %lt3A = arith.constant 0 : i32
      %lt3A_47 = arith.cmpi slt, %rem3A, %lt3A : i32
      %lt3A_48 = arith.constant 0 : i32
      %lt3A_49 = arith.cmpi slt, %select_n3A, %lt3A_48 : i32
      %ne3A_50 = arith.xori %lt3A_47, %lt3A_49 : i1
      %and3A = arith.andi %ne3A_50, %ne3A_46 : i1
      %add3A_51 = arith.addi %rem3A, %select_n3A : i32
      %select_n3A_52 = arith.select %and3A, %add3A_51, %rem3A : i32
      "tpu.region"() ({
        %run_scoped3A = tpu.sem_alloc : memref<!tpu.dma_semaphore, #tpu.memory_space<semaphore_mem>>
        %dma_start3A_91 = arith.constant 0 : i32
        %dma_start3A_92 = tpu.memref_slice %arg8[%select_n3A_52, %dma_start3A_91] : memref<40x125xi32, #tpu.memory_space<vmem>> -> memref<1x125xi32, #tpu.memory_space<vmem>>
        %dma_start3A_93 = tpu.memref_squeeze %dma_start3A_92 : memref<1x125xi32, #tpu.memory_space<vmem>> -> memref<125xi32, #tpu.memory_space<vmem>>
        %dma_start3A_94 = arith.constant 0 : i32
        %dma_start3A_95 = arith.constant 0 : i32
        %dma_start3A_96 = tpu.memref_slice %arg11[%dma_start3A_94, %dma_start3A_95] : memref<10000x128xf32, #tpu.memory_space<vmem_shared>> -> memref<10000x128xf32, #tpu.memory_space<vmem_shared>>
        tpu.enqueue_indirect_dma source(%arg9 : memref<125x128xf32, #tpu.memory_space<vmem>>) target(%dma_start3A_96 : memref<10000x128xf32, #tpu.memory_space<vmem_shared>>) offsets(%dma_start3A_93 : memref<125xi32, #tpu.memory_space<vmem>>) semaphore(%run_scoped3A : memref<!tpu.dma_semaphore, #tpu.memory_space<semaphore_mem>>) {add = true}
        %dma_wait3A_97 = arith.constant 0 : i32
        %dma_wait3A_98 = tpu.memref_slice %arg8[%select_n3A_52, %dma_wait3A_97] : memref<40x125xi32, #tpu.memory_space<vmem>> -> memref<1x125xi32, #tpu.memory_space<vmem>>
        %dma_wait3A_99 = tpu.memref_squeeze %dma_wait3A_98 : memref<1x125xi32, #tpu.memory_space<vmem>> -> memref<125xi32, #tpu.memory_space<vmem>>
        %dma_wait3A_100 = arith.constant 0 : i32
        %dma_wait3A_101 = arith.constant 0 : i32
        %dma_wait3A_102 = tpu.memref_slice %arg11[%dma_wait3A_100, %dma_wait3A_101] : memref<10000x128xf32, #tpu.memory_space<vmem_shared>> -> memref<10000x128xf32, #tpu.memory_space<vmem_shared>>
        tpu.wait_indirect_dma semaphore(%run_scoped3A : memref<!tpu.dma_semaphore, #tpu.memory_space<semaphore_mem>>) src(%arg9 : memref<125x128xf32, #tpu.memory_space<vmem>>) dst(%dma_wait3A_102 : memref<10000x128xf32, #tpu.memory_space<vmem_shared>>)
        tpu.yield
      }) : () -> ()
      %add3A_53 = arith.constant 2 : i32
      %add3A_54 = arith.addi %add3A_35, %add3A_53 : i32
      %lt3A_55 = arith.constant 80 : i32
      %lt3A_56 = arith.cmpi slt, %add3A_54, %lt3A_55 : i32
      %convert_element_type3A_57 = arith.extui %lt3A_56 : i1 to i32
      %cond3A_58 = arith.constant 0 : i32
      %cond3A_59 = arith.cmpi ne, %convert_element_type3A_57, %cond3A_58 : i32
      scf.if %cond3A_59 {
        %add3A_91 = arith.constant 2 : i32
        %add3A_92 = arith.addi %add3A_35, %add3A_91 : i32
        %dma_start3A_93 = arith.constant 0 : i32
        %dma_start3A_94 = tpu.memref_slice %arg7[%add3A_92, %dma_start3A_93] : memref<80x125xi32, #tpu.memory_space<vmem>> -> memref<1x125xi32, #tpu.memory_space<vmem>>
        %dma_start3A_95 = tpu.memref_squeeze %dma_start3A_94 : memref<1x125xi32, #tpu.memory_space<vmem>> -> memref<125xi32, #tpu.memory_space<vmem>>
        %dma_start3A_96 = arith.constant 0 : i32
        %dma_start3A_97 = arith.constant 0 : i32
        %dma_start3A_98 = tpu.memref_slice %arg2[%dma_start3A_96, %dma_start3A_97] : memref<10000x128xf32, #tpu.memory_space<hbm>> -> memref<10000x128xf32, #tpu.memory_space<hbm>>
        tpu.enqueue_indirect_dma source(%dma_start3A_98 : memref<10000x128xf32, #tpu.memory_space<hbm>>) target(%arg9 : memref<125x128xf32, #tpu.memory_space<vmem>>) offsets(%dma_start3A_95 : memref<125xi32, #tpu.memory_space<vmem>>) semaphore(%arg12 : memref<!tpu.dma_semaphore, #tpu.memory_space<semaphore_mem>>)
      } else {
      }
      %add3A_60 = arith.constant 1 : i32
      %add3A_61 = arith.addi %add3A_33, %add3A_60 : i32
      %dma_wait3A_62 = arith.constant 0 : i32
      %dma_wait3A_63 = tpu.memref_slice %arg7[%add3A_61, %dma_wait3A_62] : memref<80x125xi32, #tpu.memory_space<vmem>> -> memref<1x125xi32, #tpu.memory_space<vmem>>
      %dma_wait3A_64 = tpu.memref_squeeze %dma_wait3A_63 : memref<1x125xi32, #tpu.memory_space<vmem>> -> memref<125xi32, #tpu.memory_space<vmem>>
      %dma_wait3A_65 = arith.constant 0 : i32
      %dma_wait3A_66 = arith.constant 0 : i32
      %dma_wait3A_67 = tpu.memref_slice %arg2[%dma_wait3A_65, %dma_wait3A_66] : memref<10000x128xf32, #tpu.memory_space<hbm>> -> memref<10000x128xf32, #tpu.memory_space<hbm>>
      tpu.wait_indirect_dma semaphore(%arg13 : memref<!tpu.dma_semaphore, #tpu.memory_space<semaphore_mem>>) src(%dma_wait3A_67 : memref<10000x128xf32, #tpu.memory_space<hbm>>) dst(%arg10 : memref<125x128xf32, #tpu.memory_space<vmem>>)
      %jit3A_68 = arith.constant 40 : i32
      %eq3A_69 = arith.constant 0 : i32
      %eq3A_70 = arith.cmpi eq, %jit3A_68, %eq3A_69 : i32
      %jit3A_71 = arith.constant 1 : i32
      %select_n3A_72 = arith.select %eq3A_70, %jit3A_71, %jit3A_68 : i32
      %rem3A_73 = arith.remsi %add3A_61, %select_n3A_72 : i32
      %ne3A_74 = arith.constant 0 : i32
      %ne3A_75 = arith.cmpi ne, %rem3A_73, %ne3A_74 : i32
      %lt3A_76 = arith.constant 0 : i32
      %lt3A_77 = arith.cmpi slt, %rem3A_73, %lt3A_76 : i32
      %lt3A_78 = arith.constant 0 : i32
      %lt3A_79 = arith.cmpi slt, %select_n3A_72, %lt3A_78 : i32
      %ne3A_80 = arith.xori %lt3A_77, %lt3A_79 : i1
      %and3A_81 = arith.andi %ne3A_80, %ne3A_75 : i1
      %add3A_82 = arith.addi %rem3A_73, %select_n3A_72 : i32
      %select_n3A_83 = arith.select %and3A_81, %add3A_82, %rem3A_73 : i32
      "tpu.region"() ({
        %run_scoped3A = tpu.sem_alloc : memref<!tpu.dma_semaphore, #tpu.memory_space<semaphore_mem>>
        %dma_start3A_91 = arith.constant 0 : i32
        %dma_start3A_92 = tpu.memref_slice %arg8[%select_n3A_83, %dma_start3A_91] : memref<40x125xi32, #tpu.memory_space<vmem>> -> memref<1x125xi32, #tpu.memory_space<vmem>>
        %dma_start3A_93 = tpu.memref_squeeze %dma_start3A_92 : memref<1x125xi32, #tpu.memory_space<vmem>> -> memref<125xi32, #tpu.memory_space<vmem>>
        %dma_start3A_94 = arith.constant 0 : i32
        %dma_start3A_95 = arith.constant 0 : i32
        %dma_start3A_96 = tpu.memref_slice %arg11[%dma_start3A_94, %dma_start3A_95] : memref<10000x128xf32, #tpu.memory_space<vmem_shared>> -> memref<10000x128xf32, #tpu.memory_space<vmem_shared>>
        tpu.enqueue_indirect_dma source(%arg10 : memref<125x128xf32, #tpu.memory_space<vmem>>) target(%dma_start3A_96 : memref<10000x128xf32, #tpu.memory_space<vmem_shared>>) offsets(%dma_start3A_93 : memref<125xi32, #tpu.memory_space<vmem>>) semaphore(%run_scoped3A : memref<!tpu.dma_semaphore, #tpu.memory_space<semaphore_mem>>) {add = true}
        %dma_wait3A_97 = arith.constant 0 : i32
        %dma_wait3A_98 = tpu.memref_slice %arg8[%select_n3A_83, %dma_wait3A_97] : memref<40x125xi32, #tpu.memory_space<vmem>> -> memref<1x125xi32, #tpu.memory_space<vmem>>
        %dma_wait3A_99 = tpu.memref_squeeze %dma_wait3A_98 : memref<1x125xi32, #tpu.memory_space<vmem>> -> memref<125xi32, #tpu.memory_space<vmem>>
        %dma_wait3A_100 = arith.constant 0 : i32
        %dma_wait3A_101 = arith.constant 0 : i32
        %dma_wait3A_102 = tpu.memref_slice %arg11[%dma_wait3A_100, %dma_wait3A_101] : memref<10000x128xf32, #tpu.memory_space<vmem_shared>> -> memref<10000x128xf32, #tpu.memory_space<vmem_shared>>
        tpu.wait_indirect_dma semaphore(%run_scoped3A : memref<!tpu.dma_semaphore, #tpu.memory_space<semaphore_mem>>) src(%arg10 : memref<125x128xf32, #tpu.memory_space<vmem>>) dst(%dma_wait3A_102 : memref<10000x128xf32, #tpu.memory_space<vmem_shared>>)
        tpu.yield
      }) : () -> ()
      %add3A_84 = arith.constant 2 : i32
      %add3A_85 = arith.addi %add3A_61, %add3A_84 : i32
      %lt3A_86 = arith.constant 80 : i32
      %lt3A_87 = arith.cmpi slt, %add3A_85, %lt3A_86 : i32
      %convert_element_type3A_88 = arith.extui %lt3A_87 : i1 to i32
      %cond3A_89 = arith.constant 0 : i32
      %cond3A_90 = arith.cmpi ne, %convert_element_type3A_88, %cond3A_89 : i32
      scf.if %cond3A_90 {
        %add3A_91 = arith.constant 2 : i32
        %add3A_92 = arith.addi %add3A_61, %add3A_91 : i32
        %dma_start3A_93 = arith.constant 0 : i32
        %dma_start3A_94 = tpu.memref_slice %arg7[%add3A_92, %dma_start3A_93] : memref<80x125xi32, #tpu.memory_space<vmem>> -> memref<1x125xi32, #tpu.memory_space<vmem>>
        %dma_start3A_95 = tpu.memref_squeeze %dma_start3A_94 : memref<1x125xi32, #tpu.memory_space<vmem>> -> memref<125xi32, #tpu.memory_space<vmem>>
        %dma_start3A_96 = arith.constant 0 : i32
        %dma_start3A_97 = arith.constant 0 : i32
        %dma_start3A_98 = tpu.memref_slice %arg2[%dma_start3A_96, %dma_start3A_97] : memref<10000x128xf32, #tpu.memory_space<hbm>> -> memref<10000x128xf32, #tpu.memory_space<hbm>>
        tpu.enqueue_indirect_dma source(%dma_start3A_98 : memref<10000x128xf32, #tpu.memory_space<hbm>>) target(%arg10 : memref<125x128xf32, #tpu.memory_space<vmem>>) offsets(%dma_start3A_95 : memref<125xi32, #tpu.memory_space<vmem>>) semaphore(%arg13 : memref<!tpu.dma_semaphore, #tpu.memory_space<semaphore_mem>>)
      } else {
      }
    }
    %scan3A_22 = arith.constant 40 : i32
    %barrier3A_23 = arith.constant 0 : index
    tpu.barrier barrier_id(%barrier3A_23)
    %scan3A_24 = arith.constant 0 : i32
    %scan3A_25 = arith.constant 25 : i32
    %scan3A_26 = arith.addi %scan3A_24, %scan3A_25 : i32
    %scan3A_27 = arith.constant 1 : i32
    scf.for %scan3A_29 = %scan3A_24 to %scan3A_26 step %scan3A_27  : i32 {
      %mul3A_30 = arith.constant 1 : i32
      %mul3A_31 = arith.muli %scan3A_29, %mul3A_30 : i32
      %add3A_32 = arith.constant 0 : i32
      %add3A_33 = arith.addi %add3A_32, %mul3A_31 : i32
      %jit3A = arith.constant 16 : i32
      %eq3A = arith.constant 0 : i32
      %eq3A_34 = arith.cmpi eq, %jit3A, %eq3A : i32
      %jit3A_35 = arith.constant 1 : i32
      %select_n3A = arith.select %eq3A_34, %jit3A_35, %jit3A : i32
      %rem3A = arith.remsi %add3A_33, %select_n3A : i32
      %ne3A = arith.constant 0 : i32
      %ne3A_36 = arith.cmpi ne, %rem3A, %ne3A : i32
      %lt3A = arith.constant 0 : i32
      %lt3A_37 = arith.cmpi slt, %rem3A, %lt3A : i32
      %lt3A_38 = arith.constant 0 : i32
      %lt3A_39 = arith.cmpi slt, %select_n3A, %lt3A_38 : i32
      %ne3A_40 = arith.xori %lt3A_37, %lt3A_39 : i1
      %and3A = arith.andi %ne3A_40, %ne3A_36 : i1
      %add3A_41 = arith.addi %rem3A, %select_n3A : i32
      %select_n3A_42 = arith.select %and3A, %add3A_41, %rem3A : i32
      %eq3A_43 = arith.cmpi eq, %select_n3A_42, %arg1 : i32
      %convert_element_type3A = arith.extui %eq3A_43 : i1 to i32
      %cond3A = arith.constant 0 : i32
      %cond3A_44 = arith.cmpi ne, %convert_element_type3A, %cond3A : i32
      scf.if %cond3A_44 {
        %mul3A_45 = arith.constant 400 : i32
        %mul3A_46 = arith.muli %add3A_33, %mul3A_45 : i32
        %mul3A_47 = arith.constant 400 : i32
        %mul3A_48 = arith.muli %add3A_33, %mul3A_47 : i32
        "tpu.region"() ({
          %run_scoped3A = tpu.sem_alloc : memref<!tpu.dma_semaphore, #tpu.memory_space<semaphore_mem>>
          %dma_start3A_49 = arith.constant 0 : i32
          %dma_start3A_50 = tpu.memref_slice %arg6[%arg0, %mul3A_48, %dma_start3A_49] : memref<2x10000x128xf32, #tpu.memory_space<hbm>> -> memref<1x400x128xf32, #tpu.memory_space<hbm>>
          %dma_start3A_51 = tpu.memref_squeeze %dma_start3A_50 : memref<1x400x128xf32, #tpu.memory_space<hbm>> -> memref<400x128xf32, #tpu.memory_space<hbm>>
          %dma_start3A_52 = arith.constant 0 : i32
          %dma_start3A_53 = tpu.memref_slice %arg11[%mul3A_46, %dma_start3A_52] : memref<10000x128xf32, #tpu.memory_space<vmem_shared>> -> memref<400x128xf32, #tpu.memory_space<vmem_shared>>
          tpu.enqueue_dma source(%dma_start3A_53 : memref<400x128xf32, #tpu.memory_space<vmem_shared>>) target(%dma_start3A_51 : memref<400x128xf32, #tpu.memory_space<hbm>>) target_semaphore(%run_scoped3A : memref<!tpu.dma_semaphore, #tpu.memory_space<semaphore_mem>>)
          %dma_wait3A = arith.constant 0 : i32
          %dma_wait3A_54 = tpu.memref_slice %arg6[%arg0, %mul3A_48, %dma_wait3A] : memref<2x10000x128xf32, #tpu.memory_space<hbm>> -> memref<1x400x128xf32, #tpu.memory_space<hbm>>
          %dma_wait3A_55 = tpu.memref_squeeze %dma_wait3A_54 : memref<1x400x128xf32, #tpu.memory_space<hbm>> -> memref<400x128xf32, #tpu.memory_space<hbm>>
          %dma_wait3A_56 = arith.constant 0 : i32
          %dma_wait3A_57 = tpu.memref_slice %arg11[%mul3A_46, %dma_wait3A_56] : memref<10000x128xf32, #tpu.memory_space<vmem_shared>> -> memref<400x128xf32, #tpu.memory_space<vmem_shared>>
          tpu.wait_dma2 semaphore(%run_scoped3A : memref<!tpu.dma_semaphore, #tpu.memory_space<semaphore_mem>>) src(%dma_wait3A_57 : memref<400x128xf32, #tpu.memory_space<vmem_shared>>) dst(%dma_wait3A_55 : memref<400x128xf32, #tpu.memory_space<hbm>>)
          tpu.yield
        }) : () -> ()
      } else {
      }
    }
    %scan3A_28 = arith.constant 25 : i32
    return
  }
}

#map = affine_map<(d0, d1) -> (0, 0)>
#map1 = affine_map<(d0, d1) -> (0, 0, 0)>
module attributes {stable_mosaic.version = 14 : i64} {
  func.func @_agg_kernel(%arg0: i32, %arg1: i32, %arg2: memref<10000x128xf32, #tpu.memory_space<hbm>>, %arg3: memref<32x80x125xi32, #tpu.memory_space<hbm>>, %arg4: memref<32x80x125xi32, #tpu.memory_space<hbm>>, %arg5: memref<10000x128xf32, #tpu.memory_space<hbm>>, %arg6: memref<2x10000x128xf32, #tpu.memory_space<hbm>>, %arg7: memref<80x125xi32, #tpu.memory_space<vmem>>, %arg8: memref<40x125xi32, #tpu.memory_space<vmem>>, %arg9: memref<125x128xf32, #tpu.memory_space<vmem>>, %arg10: memref<125x128xf32, #tpu.memory_space<vmem>>, %arg11: memref<10000x128xf32, #tpu.memory_space<vmem_shared>>, %arg12: memref<!tpu.dma_semaphore, #tpu.memory_space<semaphore_mem>>, %arg13: memref<!tpu.dma_semaphore, #tpu.memory_space<semaphore_mem>>) attributes {dimension_semantics = [#tpu.dimension_semantics<core_parallel>, #tpu.dimension_semantics<subcore_parallel>], iteration_bounds = array<i64: 2, 16>, scalar_prefetch = 0 : i64, scratch_operands = 7 : i64, tpu.core_type = #tpu.core_type<sc_vector_subcore>, window_params = [{transform_indices = #map}, {transform_indices = #map1}, {transform_indices = #map1}, {transform_indices = #map}, {transform_indices = #map1}]} {
    %mul3A = arith.constant 2 : i32
    %mul3A_0 = arith.muli %arg1, %mul3A : i32
    %add3A = arith.addi %mul3A_0, %arg0 : i32
    %scan3A = arith.constant 0 : i32
    %scan3A_1 = arith.constant 25 : i32
    %scan3A_2 = arith.addi %scan3A, %scan3A_1 : i32
    %scan3A_3 = arith.constant 1 : i32
    scf.for %scan3A_29 = %scan3A to %scan3A_2 step %scan3A_3  : i32 {
      %mul3A_30 = arith.constant 1 : i32
      %mul3A_31 = arith.muli %scan3A_29, %mul3A_30 : i32
      %add3A_32 = arith.constant 0 : i32
      %add3A_33 = arith.addi %add3A_32, %mul3A_31 : i32
      %jit3A = arith.constant 16 : i32
      %eq3A = arith.constant 0 : i32
      %eq3A_34 = arith.cmpi eq, %jit3A, %eq3A : i32
      %jit3A_35 = arith.constant 1 : i32
      %select_n3A = arith.select %eq3A_34, %jit3A_35, %jit3A : i32
      %rem3A = arith.remsi %add3A_33, %select_n3A : i32
      %ne3A = arith.constant 0 : i32
      %ne3A_36 = arith.cmpi ne, %rem3A, %ne3A : i32
      %lt3A = arith.constant 0 : i32
      %lt3A_37 = arith.cmpi slt, %rem3A, %lt3A : i32
      %lt3A_38 = arith.constant 0 : i32
      %lt3A_39 = arith.cmpi slt, %select_n3A, %lt3A_38 : i32
      %ne3A_40 = arith.xori %lt3A_37, %lt3A_39 : i1
      %and3A = arith.andi %ne3A_40, %ne3A_36 : i1
      %add3A_41 = arith.addi %rem3A, %select_n3A : i32
      %select_n3A_42 = arith.select %and3A, %add3A_41, %rem3A : i32
      %eq3A_43 = arith.cmpi eq, %select_n3A_42, %arg1 : i32
      %convert_element_type3A = arith.extui %eq3A_43 : i1 to i32
      %cond3A = arith.constant 0 : i32
      %cond3A_44 = arith.cmpi ne, %convert_element_type3A, %cond3A : i32
      scf.if %cond3A_44 {
        %mul3A_45 = arith.constant 400 : i32
        %mul3A_46 = arith.muli %add3A_33, %mul3A_45 : i32
        %mul3A_47 = arith.constant 400 : i32
        %mul3A_48 = arith.muli %add3A_33, %mul3A_47 : i32
        "tpu.region"() ({
          %run_scoped3A = tpu.sem_alloc : memref<!tpu.dma_semaphore, #tpu.memory_space<semaphore_mem>>
          %dma_start3A_49 = arith.constant 0 : i32
          %dma_start3A_50 = tpu.memref_slice %arg11[%mul3A_48, %dma_start3A_49] : memref<10000x128xf32, #tpu.memory_space<vmem_shared>> -> memref<400x128xf32, #tpu.memory_space<vmem_shared>>
          %dma_start3A_51 = arith.constant 0 : i32
          %dma_start3A_52 = tpu.memref_slice %arg5[%mul3A_46, %dma_start3A_51] : memref<10000x128xf32, #tpu.memory_space<hbm>> -> memref<400x128xf32, #tpu.memory_space<hbm>>
          tpu.enqueue_dma source(%dma_start3A_52 : memref<400x128xf32, #tpu.memory_space<hbm>>) target(%dma_start3A_50 : memref<400x128xf32, #tpu.memory_space<vmem_shared>>) target_semaphore(%run_scoped3A : memref<!tpu.dma_semaphore, #tpu.memory_space<semaphore_mem>>)
          %dma_wait3A = arith.constant 0 : i32
          %dma_wait3A_53 = tpu.memref_slice %arg11[%mul3A_48, %dma_wait3A] : memref<10000x128xf32, #tpu.memory_space<vmem_shared>> -> memref<400x128xf32, #tpu.memory_space<vmem_shared>>
          %dma_wait3A_54 = arith.constant 0 : i32
          %dma_wait3A_55 = tpu.memref_slice %arg5[%mul3A_46, %dma_wait3A_54] : memref<10000x128xf32, #tpu.memory_space<hbm>> -> memref<400x128xf32, #tpu.memory_space<hbm>>
          tpu.wait_dma2 semaphore(%run_scoped3A : memref<!tpu.dma_semaphore, #tpu.memory_space<semaphore_mem>>) src(%dma_wait3A_55 : memref<400x128xf32, #tpu.memory_space<hbm>>) dst(%dma_wait3A_53 : memref<400x128xf32, #tpu.memory_space<vmem_shared>>)
          tpu.yield
        }) : () -> ()
      } else {
      }
    }
    %scan3A_4 = arith.constant 25 : i32
    "tpu.region"() ({
      %run_scoped3A = tpu.sem_alloc : memref<!tpu.dma_semaphore, #tpu.memory_space<semaphore_mem>>
      %dma_start3A_29 = arith.constant 0 : i32
      %dma_start3A_30 = arith.constant 0 : i32
      %dma_start3A_31 = tpu.memref_slice %arg3[%add3A, %dma_start3A_29, %dma_start3A_30] : memref<32x80x125xi32, #tpu.memory_space<hbm>> -> memref<1x80x125xi32, #tpu.memory_space<hbm>>
      %dma_start3A_32 = tpu.memref_squeeze %dma_start3A_31 : memref<1x80x125xi32, #tpu.memory_space<hbm>> -> memref<80x125xi32, #tpu.memory_space<hbm>>
      %dma_start3A_33 = arith.constant 0 : i32
      %dma_start3A_34 = arith.constant 0 : i32
      %dma_start3A_35 = tpu.memref_slice %arg3[%add3A, %dma_start3A_33, %dma_start3A_34] : memref<32x80x125xi32, #tpu.memory_space<hbm>> -> memref<1x80x125xi32, #tpu.memory_space<hbm>>
      %dma_start3A_36 = tpu.memref_squeeze %dma_start3A_35 : memref<1x80x125xi32, #tpu.memory_space<hbm>> -> memref<80x125xi32, #tpu.memory_space<hbm>>
      tpu.enqueue_dma source(%dma_start3A_36 : memref<80x125xi32, #tpu.memory_space<hbm>>) target(%arg7 : memref<80x125xi32, #tpu.memory_space<vmem>>) target_semaphore(%run_scoped3A : memref<!tpu.dma_semaphore, #tpu.memory_space<semaphore_mem>>)
      %dma_wait3A = arith.constant 0 : i32
      %dma_wait3A_37 = arith.constant 0 : i32
      %dma_wait3A_38 = tpu.memref_slice %arg3[%add3A, %dma_wait3A, %dma_wait3A_37] : memref<32x80x125xi32, #tpu.memory_space<hbm>> -> memref<1x80x125xi32, #tpu.memory_space<hbm>>
      %dma_wait3A_39 = tpu.memref_squeeze %dma_wait3A_38 : memref<1x80x125xi32, #tpu.memory_space<hbm>> -> memref<80x125xi32, #tpu.memory_space<hbm>>
      %dma_wait3A_40 = arith.constant 0 : i32
      %dma_wait3A_41 = arith.constant 0 : i32
      %dma_wait3A_42 = tpu.memref_slice %arg3[%add3A, %dma_wait3A_40, %dma_wait3A_41] : memref<32x80x125xi32, #tpu.memory_space<hbm>> -> memref<1x80x125xi32, #tpu.memory_space<hbm>>
      %dma_wait3A_43 = tpu.memref_squeeze %dma_wait3A_42 : memref<1x80x125xi32, #tpu.memory_space<hbm>> -> memref<80x125xi32, #tpu.memory_space<hbm>>
      tpu.wait_dma2 semaphore(%run_scoped3A : memref<!tpu.dma_semaphore, #tpu.memory_space<semaphore_mem>>) src(%dma_wait3A_43 : memref<80x125xi32, #tpu.memory_space<hbm>>) dst(%arg7 : memref<80x125xi32, #tpu.memory_space<vmem>>)
      tpu.yield
    }) : () -> ()
    "tpu.region"() ({
      %run_scoped3A = tpu.sem_alloc : memref<!tpu.dma_semaphore, #tpu.memory_space<semaphore_mem>>
      %dma_start3A_29 = arith.constant 0 : i32
      %dma_start3A_30 = arith.constant 0 : i32
      %dma_start3A_31 = tpu.memref_slice %arg4[%add3A, %dma_start3A_29, %dma_start3A_30] : memref<32x80x125xi32, #tpu.memory_space<hbm>> -> memref<1x40x125xi32, #tpu.memory_space<hbm>>
      %dma_start3A_32 = tpu.memref_squeeze %dma_start3A_31 : memref<1x40x125xi32, #tpu.memory_space<hbm>> -> memref<40x125xi32, #tpu.memory_space<hbm>>
      %dma_start3A_33 = arith.constant 0 : i32
      %dma_start3A_34 = arith.constant 0 : i32
      %dma_start3A_35 = tpu.memref_slice %arg4[%add3A, %dma_start3A_33, %dma_start3A_34] : memref<32x80x125xi32, #tpu.memory_space<hbm>> -> memref<1x40x125xi32, #tpu.memory_space<hbm>>
      %dma_start3A_36 = tpu.memref_squeeze %dma_start3A_35 : memref<1x40x125xi32, #tpu.memory_space<hbm>> -> memref<40x125xi32, #tpu.memory_space<hbm>>
      tpu.enqueue_dma source(%dma_start3A_36 : memref<40x125xi32, #tpu.memory_space<hbm>>) target(%arg8 : memref<40x125xi32, #tpu.memory_space<vmem>>) target_semaphore(%run_scoped3A : memref<!tpu.dma_semaphore, #tpu.memory_space<semaphore_mem>>)
      %dma_wait3A = arith.constant 0 : i32
      %dma_wait3A_37 = arith.constant 0 : i32
      %dma_wait3A_38 = tpu.memref_slice %arg4[%add3A, %dma_wait3A, %dma_wait3A_37] : memref<32x80x125xi32, #tpu.memory_space<hbm>> -> memref<1x40x125xi32, #tpu.memory_space<hbm>>
      %dma_wait3A_39 = tpu.memref_squeeze %dma_wait3A_38 : memref<1x40x125xi32, #tpu.memory_space<hbm>> -> memref<40x125xi32, #tpu.memory_space<hbm>>
      %dma_wait3A_40 = arith.constant 0 : i32
      %dma_wait3A_41 = arith.constant 0 : i32
      %dma_wait3A_42 = tpu.memref_slice %arg4[%add3A, %dma_wait3A_40, %dma_wait3A_41] : memref<32x80x125xi32, #tpu.memory_space<hbm>> -> memref<1x40x125xi32, #tpu.memory_space<hbm>>
      %dma_wait3A_43 = tpu.memref_squeeze %dma_wait3A_42 : memref<1x40x125xi32, #tpu.memory_space<hbm>> -> memref<40x125xi32, #tpu.memory_space<hbm>>
      tpu.wait_dma2 semaphore(%run_scoped3A : memref<!tpu.dma_semaphore, #tpu.memory_space<semaphore_mem>>) src(%dma_wait3A_43 : memref<40x125xi32, #tpu.memory_space<hbm>>) dst(%arg8 : memref<40x125xi32, #tpu.memory_space<vmem>>)
      tpu.yield
    }) : () -> ()
    %barrier3A = arith.constant 0 : index
    tpu.barrier barrier_id(%barrier3A)
    %dma_start3A = arith.constant 0 : i32
    %dma_start3A_5 = arith.constant 0 : i32
    %dma_start3A_6 = tpu.memref_slice %arg7[%dma_start3A, %dma_start3A_5] : memref<80x125xi32, #tpu.memory_space<vmem>> -> memref<1x125xi32, #tpu.memory_space<vmem>>
    %dma_start3A_7 = tpu.memref_squeeze %dma_start3A_6 : memref<1x125xi32, #tpu.memory_space<vmem>> -> memref<125xi32, #tpu.memory_space<vmem>>
    %dma_start3A_8 = arith.constant 0 : i32
    %dma_start3A_9 = arith.constant 0 : i32
    %dma_start3A_10 = tpu.memref_slice %arg2[%dma_start3A_8, %dma_start3A_9] : memref<10000x128xf32, #tpu.memory_space<hbm>> -> memref<10000x128xf32, #tpu.memory_space<hbm>>
    tpu.enqueue_indirect_dma source(%dma_start3A_10 : memref<10000x128xf32, #tpu.memory_space<hbm>>) target(%arg9 : memref<125x128xf32, #tpu.memory_space<vmem>>) offsets(%dma_start3A_7 : memref<125xi32, #tpu.memory_space<vmem>>) semaphore(%arg12 : memref<!tpu.dma_semaphore, #tpu.memory_space<semaphore_mem>>)
    %dma_start3A_11 = arith.constant 1 : i32
    %dma_start3A_12 = arith.constant 0 : i32
    %dma_start3A_13 = tpu.memref_slice %arg7[%dma_start3A_11, %dma_start3A_12] : memref<80x125xi32, #tpu.memory_space<vmem>> -> memref<1x125xi32, #tpu.memory_space<vmem>>
    %dma_start3A_14 = tpu.memref_squeeze %dma_start3A_13 : memref<1x125xi32, #tpu.memory_space<vmem>> -> memref<125xi32, #tpu.memory_space<vmem>>
    %dma_start3A_15 = arith.constant 0 : i32
    %dma_start3A_16 = arith.constant 0 : i32
    %dma_start3A_17 = tpu.memref_slice %arg2[%dma_start3A_15, %dma_start3A_16] : memref<10000x128xf32, #tpu.memory_space<hbm>> -> memref<10000x128xf32, #tpu.memory_space<hbm>>
    tpu.enqueue_indirect_dma source(%dma_start3A_17 : memref<10000x128xf32, #tpu.memory_space<hbm>>) target(%arg10 : memref<125x128xf32, #tpu.memory_space<vmem>>) offsets(%dma_start3A_14 : memref<125xi32, #tpu.memory_space<vmem>>) semaphore(%arg13 : memref<!tpu.dma_semaphore, #tpu.memory_space<semaphore_mem>>)
    %scan3A_18 = arith.constant 0 : i32
    %scan3A_19 = arith.constant 40 : i32
    %scan3A_20 = arith.addi %scan3A_18, %scan3A_19 : i32
    %scan3A_21 = arith.constant 1 : i32
    scf.for %scan3A_29 = %scan3A_18 to %scan3A_20 step %scan3A_21  : i32 {
      %mul3A_30 = arith.constant 2 : i32
      %mul3A_31 = arith.muli %scan3A_29, %mul3A_30 : i32
      %add3A_32 = arith.constant 0 : i32
      %add3A_33 = arith.addi %add3A_32, %mul3A_31 : i32
      %add3A_34 = arith.constant 0 : i32
      %add3A_35 = arith.addi %add3A_33, %add3A_34 : i32
      %eq3A = arith.constant 40 : i32
      %eq3A_36 = arith.cmpi eq, %add3A_33, %eq3A : i32
      %convert_element_type3A = arith.extui %eq3A_36 : i1 to i32
      %cond3A = arith.constant 0 : i32
      %cond3A_37 = arith.cmpi ne, %convert_element_type3A, %cond3A : i32
      scf.if %cond3A_37 {
        "tpu.region"() ({
          %run_scoped3A = tpu.sem_alloc : memref<!tpu.dma_semaphore, #tpu.memory_space<semaphore_mem>>
          %dma_start3A_91 = arith.constant 40 : i32
          %dma_start3A_92 = arith.constant 0 : i32
          %dma_start3A_93 = tpu.memref_slice %arg4[%add3A, %dma_start3A_91, %dma_start3A_92] : memref<32x80x125xi32, #tpu.memory_space<hbm>> -> memref<1x40x125xi32, #tpu.memory_space<hbm>>
          %dma_start3A_94 = tpu.memref_squeeze %dma_start3A_93 : memref<1x40x125xi32, #tpu.memory_space<hbm>> -> memref<40x125xi32, #tpu.memory_space<hbm>>
          %dma_start3A_95 = arith.constant 40 : i32
          %dma_start3A_96 = arith.constant 0 : i32
          %dma_start3A_97 = tpu.memref_slice %arg4[%add3A, %dma_start3A_95, %dma_start3A_96] : memref<32x80x125xi32, #tpu.memory_space<hbm>> -> memref<1x40x125xi32, #tpu.memory_space<hbm>>
          %dma_start3A_98 = tpu.memref_squeeze %dma_start3A_97 : memref<1x40x125xi32, #tpu.memory_space<hbm>> -> memref<40x125xi32, #tpu.memory_space<hbm>>
          tpu.enqueue_dma source(%dma_start3A_98 : memref<40x125xi32, #tpu.memory_space<hbm>>) target(%arg8 : memref<40x125xi32, #tpu.memory_space<vmem>>) target_semaphore(%run_scoped3A : memref<!tpu.dma_semaphore, #tpu.memory_space<semaphore_mem>>)
          %dma_wait3A_99 = arith.constant 40 : i32
          %dma_wait3A_100 = arith.constant 0 : i32
          %dma_wait3A_101 = tpu.memref_slice %arg4[%add3A, %dma_wait3A_99, %dma_wait3A_100] : memref<32x80x125xi32, #tpu.memory_space<hbm>> -> memref<1x40x125xi32, #tpu.memory_space<hbm>>
          %dma_wait3A_102 = tpu.memref_squeeze %dma_wait3A_101 : memref<1x40x125xi32, #tpu.memory_space<hbm>> -> memref<40x125xi32, #tpu.memory_space<hbm>>
          %dma_wait3A_103 = arith.constant 40 : i32
          %dma_wait3A_104 = arith.constant 0 : i32
          %dma_wait3A_105 = tpu.memref_slice %arg4[%add3A, %dma_wait3A_103, %dma_wait3A_104] : memref<32x80x125xi32, #tpu.memory_space<hbm>> -> memref<1x40x125xi32, #tpu.memory_space<hbm>>
          %dma_wait3A_106 = tpu.memref_squeeze %dma_wait3A_105 : memref<1x40x125xi32, #tpu.memory_space<hbm>> -> memref<40x125xi32, #tpu.memory_space<hbm>>
          tpu.wait_dma2 semaphore(%run_scoped3A : memref<!tpu.dma_semaphore, #tpu.memory_space<semaphore_mem>>) src(%dma_wait3A_106 : memref<40x125xi32, #tpu.memory_space<hbm>>) dst(%arg8 : memref<40x125xi32, #tpu.memory_space<vmem>>)
          tpu.yield
        }) : () -> ()
      } else {
      }
      %dma_wait3A = arith.constant 0 : i32
      %dma_wait3A_38 = tpu.memref_slice %arg7[%add3A_35, %dma_wait3A] : memref<80x125xi32, #tpu.memory_space<vmem>> -> memref<1x125xi32, #tpu.memory_space<vmem>>
      %dma_wait3A_39 = tpu.memref_squeeze %dma_wait3A_38 : memref<1x125xi32, #tpu.memory_space<vmem>> -> memref<125xi32, #tpu.memory_space<vmem>>
      %dma_wait3A_40 = arith.constant 0 : i32
      %dma_wait3A_41 = arith.constant 0 : i32
      %dma_wait3A_42 = tpu.memref_slice %arg2[%dma_wait3A_40, %dma_wait3A_41] : memref<10000x128xf32, #tpu.memory_space<hbm>> -> memref<10000x128xf32, #tpu.memory_space<hbm>>
      tpu.wait_indirect_dma semaphore(%arg12 : memref<!tpu.dma_semaphore, #tpu.memory_space<semaphore_mem>>) src(%dma_wait3A_42 : memref<10000x128xf32, #tpu.memory_space<hbm>>) dst(%arg9 : memref<125x128xf32, #tpu.memory_space<vmem>>)
      %jit3A = arith.constant 40 : i32
      %eq3A_43 = arith.constant 0 : i32
      %eq3A_44 = arith.cmpi eq, %jit3A, %eq3A_43 : i32
      %jit3A_45 = arith.constant 1 : i32
      %select_n3A = arith.select %eq3A_44, %jit3A_45, %jit3A : i32
      %rem3A = arith.remsi %add3A_35, %select_n3A : i32
      %ne3A = arith.constant 0 : i32
      %ne3A_46 = arith.cmpi ne, %rem3A, %ne3A : i32
      %lt3A = arith.constant 0 : i32
      %lt3A_47 = arith.cmpi slt, %rem3A, %lt3A : i32
      %lt3A_48 = arith.constant 0 : i32
      %lt3A_49 = arith.cmpi slt, %select_n3A, %lt3A_48 : i32
      %ne3A_50 = arith.xori %lt3A_47, %lt3A_49 : i1
      %and3A = arith.andi %ne3A_50, %ne3A_46 : i1
      %add3A_51 = arith.addi %rem3A, %select_n3A : i32
      %select_n3A_52 = arith.select %and3A, %add3A_51, %rem3A : i32
      "tpu.region"() ({
        %run_scoped3A = tpu.sem_alloc : memref<!tpu.dma_semaphore, #tpu.memory_space<semaphore_mem>>
        %dma_start3A_91 = arith.constant 0 : i32
        %dma_start3A_92 = tpu.memref_slice %arg8[%select_n3A_52, %dma_start3A_91] : memref<40x125xi32, #tpu.memory_space<vmem>> -> memref<1x125xi32, #tpu.memory_space<vmem>>
        %dma_start3A_93 = tpu.memref_squeeze %dma_start3A_92 : memref<1x125xi32, #tpu.memory_space<vmem>> -> memref<125xi32, #tpu.memory_space<vmem>>
        %dma_start3A_94 = arith.constant 0 : i32
        %dma_start3A_95 = arith.constant 0 : i32
        %dma_start3A_96 = tpu.memref_slice %arg11[%dma_start3A_94, %dma_start3A_95] : memref<10000x128xf32, #tpu.memory_space<vmem_shared>> -> memref<10000x128xf32, #tpu.memory_space<vmem_shared>>
        tpu.enqueue_indirect_dma source(%arg9 : memref<125x128xf32, #tpu.memory_space<vmem>>) target(%dma_start3A_96 : memref<10000x128xf32, #tpu.memory_space<vmem_shared>>) offsets(%dma_start3A_93 : memref<125xi32, #tpu.memory_space<vmem>>) semaphore(%run_scoped3A : memref<!tpu.dma_semaphore, #tpu.memory_space<semaphore_mem>>) {add = true}
        %dma_wait3A_97 = arith.constant 0 : i32
        %dma_wait3A_98 = tpu.memref_slice %arg8[%select_n3A_52, %dma_wait3A_97] : memref<40x125xi32, #tpu.memory_space<vmem>> -> memref<1x125xi32, #tpu.memory_space<vmem>>
        %dma_wait3A_99 = tpu.memref_squeeze %dma_wait3A_98 : memref<1x125xi32, #tpu.memory_space<vmem>> -> memref<125xi32, #tpu.memory_space<vmem>>
        %dma_wait3A_100 = arith.constant 0 : i32
        %dma_wait3A_101 = arith.constant 0 : i32
        %dma_wait3A_102 = tpu.memref_slice %arg11[%dma_wait3A_100, %dma_wait3A_101] : memref<10000x128xf32, #tpu.memory_space<vmem_shared>> -> memref<10000x128xf32, #tpu.memory_space<vmem_shared>>
        tpu.wait_indirect_dma semaphore(%run_scoped3A : memref<!tpu.dma_semaphore, #tpu.memory_space<semaphore_mem>>) src(%arg9 : memref<125x128xf32, #tpu.memory_space<vmem>>) dst(%dma_wait3A_102 : memref<10000x128xf32, #tpu.memory_space<vmem_shared>>)
        tpu.yield
      }) : () -> ()
      %add3A_53 = arith.constant 2 : i32
      %add3A_54 = arith.addi %add3A_35, %add3A_53 : i32
      %lt3A_55 = arith.constant 80 : i32
      %lt3A_56 = arith.cmpi slt, %add3A_54, %lt3A_55 : i32
      %convert_element_type3A_57 = arith.extui %lt3A_56 : i1 to i32
      %cond3A_58 = arith.constant 0 : i32
      %cond3A_59 = arith.cmpi ne, %convert_element_type3A_57, %cond3A_58 : i32
      scf.if %cond3A_59 {
        %add3A_91 = arith.constant 2 : i32
        %add3A_92 = arith.addi %add3A_35, %add3A_91 : i32
        %dma_start3A_93 = arith.constant 0 : i32
        %dma_start3A_94 = tpu.memref_slice %arg7[%add3A_92, %dma_start3A_93] : memref<80x125xi32, #tpu.memory_space<vmem>> -> memref<1x125xi32, #tpu.memory_space<vmem>>
        %dma_start3A_95 = tpu.memref_squeeze %dma_start3A_94 : memref<1x125xi32, #tpu.memory_space<vmem>> -> memref<125xi32, #tpu.memory_space<vmem>>
        %dma_start3A_96 = arith.constant 0 : i32
        %dma_start3A_97 = arith.constant 0 : i32
        %dma_start3A_98 = tpu.memref_slice %arg2[%dma_start3A_96, %dma_start3A_97] : memref<10000x128xf32, #tpu.memory_space<hbm>> -> memref<10000x128xf32, #tpu.memory_space<hbm>>
        tpu.enqueue_indirect_dma source(%dma_start3A_98 : memref<10000x128xf32, #tpu.memory_space<hbm>>) target(%arg9 : memref<125x128xf32, #tpu.memory_space<vmem>>) offsets(%dma_start3A_95 : memref<125xi32, #tpu.memory_space<vmem>>) semaphore(%arg12 : memref<!tpu.dma_semaphore, #tpu.memory_space<semaphore_mem>>)
      } else {
      }
      %add3A_60 = arith.constant 1 : i32
      %add3A_61 = arith.addi %add3A_33, %add3A_60 : i32
      %dma_wait3A_62 = arith.constant 0 : i32
      %dma_wait3A_63 = tpu.memref_slice %arg7[%add3A_61, %dma_wait3A_62] : memref<80x125xi32, #tpu.memory_space<vmem>> -> memref<1x125xi32, #tpu.memory_space<vmem>>
      %dma_wait3A_64 = tpu.memref_squeeze %dma_wait3A_63 : memref<1x125xi32, #tpu.memory_space<vmem>> -> memref<125xi32, #tpu.memory_space<vmem>>
      %dma_wait3A_65 = arith.constant 0 : i32
      %dma_wait3A_66 = arith.constant 0 : i32
      %dma_wait3A_67 = tpu.memref_slice %arg2[%dma_wait3A_65, %dma_wait3A_66] : memref<10000x128xf32, #tpu.memory_space<hbm>> -> memref<10000x128xf32, #tpu.memory_space<hbm>>
      tpu.wait_indirect_dma semaphore(%arg13 : memref<!tpu.dma_semaphore, #tpu.memory_space<semaphore_mem>>) src(%dma_wait3A_67 : memref<10000x128xf32, #tpu.memory_space<hbm>>) dst(%arg10 : memref<125x128xf32, #tpu.memory_space<vmem>>)
      %jit3A_68 = arith.constant 40 : i32
      %eq3A_69 = arith.constant 0 : i32
      %eq3A_70 = arith.cmpi eq, %jit3A_68, %eq3A_69 : i32
      %jit3A_71 = arith.constant 1 : i32
      %select_n3A_72 = arith.select %eq3A_70, %jit3A_71, %jit3A_68 : i32
      %rem3A_73 = arith.remsi %add3A_61, %select_n3A_72 : i32
      %ne3A_74 = arith.constant 0 : i32
      %ne3A_75 = arith.cmpi ne, %rem3A_73, %ne3A_74 : i32
      %lt3A_76 = arith.constant 0 : i32
      %lt3A_77 = arith.cmpi slt, %rem3A_73, %lt3A_76 : i32
      %lt3A_78 = arith.constant 0 : i32
      %lt3A_79 = arith.cmpi slt, %select_n3A_72, %lt3A_78 : i32
      %ne3A_80 = arith.xori %lt3A_77, %lt3A_79 : i1
      %and3A_81 = arith.andi %ne3A_80, %ne3A_75 : i1
      %add3A_82 = arith.addi %rem3A_73, %select_n3A_72 : i32
      %select_n3A_83 = arith.select %and3A_81, %add3A_82, %rem3A_73 : i32
      "tpu.region"() ({
        %run_scoped3A = tpu.sem_alloc : memref<!tpu.dma_semaphore, #tpu.memory_space<semaphore_mem>>
        %dma_start3A_91 = arith.constant 0 : i32
        %dma_start3A_92 = tpu.memref_slice %arg8[%select_n3A_83, %dma_start3A_91] : memref<40x125xi32, #tpu.memory_space<vmem>> -> memref<1x125xi32, #tpu.memory_space<vmem>>
        %dma_start3A_93 = tpu.memref_squeeze %dma_start3A_92 : memref<1x125xi32, #tpu.memory_space<vmem>> -> memref<125xi32, #tpu.memory_space<vmem>>
        %dma_start3A_94 = arith.constant 0 : i32
        %dma_start3A_95 = arith.constant 0 : i32
        %dma_start3A_96 = tpu.memref_slice %arg11[%dma_start3A_94, %dma_start3A_95] : memref<10000x128xf32, #tpu.memory_space<vmem_shared>> -> memref<10000x128xf32, #tpu.memory_space<vmem_shared>>
        tpu.enqueue_indirect_dma source(%arg10 : memref<125x128xf32, #tpu.memory_space<vmem>>) target(%dma_start3A_96 : memref<10000x128xf32, #tpu.memory_space<vmem_shared>>) offsets(%dma_start3A_93 : memref<125xi32, #tpu.memory_space<vmem>>) semaphore(%run_scoped3A : memref<!tpu.dma_semaphore, #tpu.memory_space<semaphore_mem>>) {add = true}
        %dma_wait3A_97 = arith.constant 0 : i32
        %dma_wait3A_98 = tpu.memref_slice %arg8[%select_n3A_83, %dma_wait3A_97] : memref<40x125xi32, #tpu.memory_space<vmem>> -> memref<1x125xi32, #tpu.memory_space<vmem>>
        %dma_wait3A_99 = tpu.memref_squeeze %dma_wait3A_98 : memref<1x125xi32, #tpu.memory_space<vmem>> -> memref<125xi32, #tpu.memory_space<vmem>>
        %dma_wait3A_100 = arith.constant 0 : i32
        %dma_wait3A_101 = arith.constant 0 : i32
        %dma_wait3A_102 = tpu.memref_slice %arg11[%dma_wait3A_100, %dma_wait3A_101] : memref<10000x128xf32, #tpu.memory_space<vmem_shared>> -> memref<10000x128xf32, #tpu.memory_space<vmem_shared>>
        tpu.wait_indirect_dma semaphore(%run_scoped3A : memref<!tpu.dma_semaphore, #tpu.memory_space<semaphore_mem>>) src(%arg10 : memref<125x128xf32, #tpu.memory_space<vmem>>) dst(%dma_wait3A_102 : memref<10000x128xf32, #tpu.memory_space<vmem_shared>>)
        tpu.yield
      }) : () -> ()
      %add3A_84 = arith.constant 2 : i32
      %add3A_85 = arith.addi %add3A_61, %add3A_84 : i32
      %lt3A_86 = arith.constant 80 : i32
      %lt3A_87 = arith.cmpi slt, %add3A_85, %lt3A_86 : i32
      %convert_element_type3A_88 = arith.extui %lt3A_87 : i1 to i32
      %cond3A_89 = arith.constant 0 : i32
      %cond3A_90 = arith.cmpi ne, %convert_element_type3A_88, %cond3A_89 : i32
      scf.if %cond3A_90 {
        %add3A_91 = arith.constant 2 : i32
        %add3A_92 = arith.addi %add3A_61, %add3A_91 : i32
        %dma_start3A_93 = arith.constant 0 : i32
        %dma_start3A_94 = tpu.memref_slice %arg7[%add3A_92, %dma_start3A_93] : memref<80x125xi32, #tpu.memory_space<vmem>> -> memref<1x125xi32, #tpu.memory_space<vmem>>
        %dma_start3A_95 = tpu.memref_squeeze %dma_start3A_94 : memref<1x125xi32, #tpu.memory_space<vmem>> -> memref<125xi32, #tpu.memory_space<vmem>>
        %dma_start3A_96 = arith.constant 0 : i32
        %dma_start3A_97 = arith.constant 0 : i32
        %dma_start3A_98 = tpu.memref_slice %arg2[%dma_start3A_96, %dma_start3A_97] : memref<10000x128xf32, #tpu.memory_space<hbm>> -> memref<10000x128xf32, #tpu.memory_space<hbm>>
        tpu.enqueue_indirect_dma source(%dma_start3A_98 : memref<10000x128xf32, #tpu.memory_space<hbm>>) target(%arg10 : memref<125x128xf32, #tpu.memory_space<vmem>>) offsets(%dma_start3A_95 : memref<125xi32, #tpu.memory_space<vmem>>) semaphore(%arg13 : memref<!tpu.dma_semaphore, #tpu.memory_space<semaphore_mem>>)
      } else {
      }
    }
    %scan3A_22 = arith.constant 40 : i32
    %barrier3A_23 = arith.constant 0 : index
    tpu.barrier barrier_id(%barrier3A_23)
    %scan3A_24 = arith.constant 0 : i32
    %scan3A_25 = arith.constant 25 : i32
    %scan3A_26 = arith.addi %scan3A_24, %scan3A_25 : i32
    %scan3A_27 = arith.constant 1 : i32
    scf.for %scan3A_29 = %scan3A_24 to %scan3A_26 step %scan3A_27  : i32 {
      %mul3A_30 = arith.constant 1 : i32
      %mul3A_31 = arith.muli %scan3A_29, %mul3A_30 : i32
      %add3A_32 = arith.constant 0 : i32
      %add3A_33 = arith.addi %add3A_32, %mul3A_31 : i32
      %jit3A = arith.constant 16 : i32
      %eq3A = arith.constant 0 : i32
      %eq3A_34 = arith.cmpi eq, %jit3A, %eq3A : i32
      %jit3A_35 = arith.constant 1 : i32
      %select_n3A = arith.select %eq3A_34, %jit3A_35, %jit3A : i32
      %rem3A = arith.remsi %add3A_33, %select_n3A : i32
      %ne3A = arith.constant 0 : i32
      %ne3A_36 = arith.cmpi ne, %rem3A, %ne3A : i32
      %lt3A = arith.constant 0 : i32
      %lt3A_37 = arith.cmpi slt, %rem3A, %lt3A : i32
      %lt3A_38 = arith.constant 0 : i32
      %lt3A_39 = arith.cmpi slt, %select_n3A, %lt3A_38 : i32
      %ne3A_40 = arith.xori %lt3A_37, %lt3A_39 : i1
      %and3A = arith.andi %ne3A_40, %ne3A_36 : i1
      %add3A_41 = arith.addi %rem3A, %select_n3A : i32
      %select_n3A_42 = arith.select %and3A, %add3A_41, %rem3A : i32
      %eq3A_43 = arith.cmpi eq, %select_n3A_42, %arg1 : i32
      %convert_element_type3A = arith.extui %eq3A_43 : i1 to i32
      %cond3A = arith.constant 0 : i32
      %cond3A_44 = arith.cmpi ne, %convert_element_type3A, %cond3A : i32
      scf.if %cond3A_44 {
        %mul3A_45 = arith.constant 400 : i32
        %mul3A_46 = arith.muli %add3A_33, %mul3A_45 : i32
        %mul3A_47 = arith.constant 400 : i32
        %mul3A_48 = arith.muli %add3A_33, %mul3A_47 : i32
        "tpu.region"() ({
          %run_scoped3A = tpu.sem_alloc : memref<!tpu.dma_semaphore, #tpu.memory_space<semaphore_mem>>
          %dma_start3A_49 = arith.constant 0 : i32
          %dma_start3A_50 = tpu.memref_slice %arg6[%arg0, %mul3A_48, %dma_start3A_49] : memref<2x10000x128xf32, #tpu.memory_space<hbm>> -> memref<1x400x128xf32, #tpu.memory_space<hbm>>
          %dma_start3A_51 = tpu.memref_squeeze %dma_start3A_50 : memref<1x400x128xf32, #tpu.memory_space<hbm>> -> memref<400x128xf32, #tpu.memory_space<hbm>>
          %dma_start3A_52 = arith.constant 0 : i32
          %dma_start3A_53 = tpu.memref_slice %arg11[%mul3A_46, %dma_start3A_52] : memref<10000x128xf32, #tpu.memory_space<vmem_shared>> -> memref<400x128xf32, #tpu.memory_space<vmem_shared>>
          tpu.enqueue_dma source(%dma_start3A_53 : memref<400x128xf32, #tpu.memory_space<vmem_shared>>) target(%dma_start3A_51 : memref<400x128xf32, #tpu.memory_space<hbm>>) target_semaphore(%run_scoped3A : memref<!tpu.dma_semaphore, #tpu.memory_space<semaphore_mem>>)
          %dma_wait3A = arith.constant 0 : i32
          %dma_wait3A_54 = tpu.memref_slice %arg6[%arg0, %mul3A_48, %dma_wait3A] : memref<2x10000x128xf32, #tpu.memory_space<hbm>> -> memref<1x400x128xf32, #tpu.memory_space<hbm>>
          %dma_wait3A_55 = tpu.memref_squeeze %dma_wait3A_54 : memref<1x400x128xf32, #tpu.memory_space<hbm>> -> memref<400x128xf32, #tpu.memory_space<hbm>>
          %dma_wait3A_56 = arith.constant 0 : i32
          %dma_wait3A_57 = tpu.memref_slice %arg11[%mul3A_46, %dma_wait3A_56] : memref<10000x128xf32, #tpu.memory_space<vmem_shared>> -> memref<400x128xf32, #tpu.memory_space<vmem_shared>>
          tpu.wait_dma2 semaphore(%run_scoped3A : memref<!tpu.dma_semaphore, #tpu.memory_space<semaphore_mem>>) src(%dma_wait3A_57 : memref<400x128xf32, #tpu.memory_space<vmem_shared>>) dst(%dma_wait3A_55 : memref<400x128xf32, #tpu.memory_space<hbm>>)
          tpu.yield
        }) : () -> ()
      } else {
      }
    }
    %scan3A_28 = arith.constant 25 : i32
    return
  }
}

#map = affine_map<(d0, d1) -> (0, 0, 0)>
#map1 = affine_map<(d0, d1) -> (0, 0)>
module attributes {stable_mosaic.version = 14 : i64} {
  func.func @_deg_kernel(%arg0: i32, %arg1: i32, %arg2: memref<32x80x125xi32, #tpu.memory_space<hbm>>, %arg3: memref<125x128xf32, #tpu.memory_space<hbm>>, %arg4: memref<10000x128xf32, #tpu.memory_space<hbm>>, %arg5: memref<2x10000x128xf32, #tpu.memory_space<hbm>>, %arg6: memref<80x125xi32, #tpu.memory_space<vmem>>, %arg7: memref<125x128xf32, #tpu.memory_space<vmem>>, %arg8: memref<10000x128xf32, #tpu.memory_space<vmem_shared>>, %arg9: memref<!tpu.dma_semaphore, #tpu.memory_space<semaphore_mem>>) attributes {dimension_semantics = [#tpu.dimension_semantics<core_parallel>, #tpu.dimension_semantics<subcore_parallel>], iteration_bounds = array<i64: 2, 16>, scalar_prefetch = 0 : i64, scratch_operands = 4 : i64, tpu.core_type = #tpu.core_type<sc_vector_subcore>, window_params = [{transform_indices = #map}, {transform_indices = #map1}, {transform_indices = #map1}, {transform_indices = #map}]} {
    %mul3A = arith.constant 2 : i32
    %mul3A_0 = arith.muli %arg1, %mul3A : i32
    %add3A = arith.addi %mul3A_0, %arg0 : i32
    %scan3A = arith.constant 0 : i32
    %scan3A_1 = arith.constant 25 : i32
    %scan3A_2 = arith.addi %scan3A, %scan3A_1 : i32
    %scan3A_3 = arith.constant 1 : i32
    scf.for %scan3A_16 = %scan3A to %scan3A_2 step %scan3A_3  : i32 {
      %mul3A_17 = arith.constant 1 : i32
      %mul3A_18 = arith.muli %scan3A_16, %mul3A_17 : i32
      %add3A_19 = arith.constant 0 : i32
      %add3A_20 = arith.addi %add3A_19, %mul3A_18 : i32
      %jit3A = arith.constant 16 : i32
      %eq3A = arith.constant 0 : i32
      %eq3A_21 = arith.cmpi eq, %jit3A, %eq3A : i32
      %jit3A_22 = arith.constant 1 : i32
      %select_n3A = arith.select %eq3A_21, %jit3A_22, %jit3A : i32
      %rem3A = arith.remsi %add3A_20, %select_n3A : i32
      %ne3A = arith.constant 0 : i32
      %ne3A_23 = arith.cmpi ne, %rem3A, %ne3A : i32
      %lt3A = arith.constant 0 : i32
      %lt3A_24 = arith.cmpi slt, %rem3A, %lt3A : i32
      %lt3A_25 = arith.constant 0 : i32
      %lt3A_26 = arith.cmpi slt, %select_n3A, %lt3A_25 : i32
      %ne3A_27 = arith.xori %lt3A_24, %lt3A_26 : i1
      %and3A = arith.andi %ne3A_27, %ne3A_23 : i1
      %add3A_28 = arith.addi %rem3A, %select_n3A : i32
      %select_n3A_29 = arith.select %and3A, %add3A_28, %rem3A : i32
      %eq3A_30 = arith.cmpi eq, %select_n3A_29, %arg1 : i32
      %convert_element_type3A = arith.extui %eq3A_30 : i1 to i32
      %cond3A = arith.constant 0 : i32
      %cond3A_31 = arith.cmpi ne, %convert_element_type3A, %cond3A : i32
      scf.if %cond3A_31 {
        %mul3A_32 = arith.constant 400 : i32
        %mul3A_33 = arith.muli %add3A_20, %mul3A_32 : i32
        %mul3A_34 = arith.constant 400 : i32
        %mul3A_35 = arith.muli %add3A_20, %mul3A_34 : i32
        "tpu.region"() ({
          %run_scoped3A = tpu.sem_alloc : memref<!tpu.dma_semaphore, #tpu.memory_space<semaphore_mem>>
          %dma_start3A = arith.constant 0 : i32
          %dma_start3A_36 = tpu.memref_slice %arg8[%mul3A_35, %dma_start3A] : memref<10000x128xf32, #tpu.memory_space<vmem_shared>> -> memref<400x128xf32, #tpu.memory_space<vmem_shared>>
          %dma_start3A_37 = arith.constant 0 : i32
          %dma_start3A_38 = tpu.memref_slice %arg4[%mul3A_33, %dma_start3A_37] : memref<10000x128xf32, #tpu.memory_space<hbm>> -> memref<400x128xf32, #tpu.memory_space<hbm>>
          tpu.enqueue_dma source(%dma_start3A_38 : memref<400x128xf32, #tpu.memory_space<hbm>>) target(%dma_start3A_36 : memref<400x128xf32, #tpu.memory_space<vmem_shared>>) target_semaphore(%run_scoped3A : memref<!tpu.dma_semaphore, #tpu.memory_space<semaphore_mem>>)
          %dma_wait3A = arith.constant 0 : i32
          %dma_wait3A_39 = tpu.memref_slice %arg8[%mul3A_35, %dma_wait3A] : memref<10000x128xf32, #tpu.memory_space<vmem_shared>> -> memref<400x128xf32, #tpu.memory_space<vmem_shared>>
          %dma_wait3A_40 = arith.constant 0 : i32
          %dma_wait3A_41 = tpu.memref_slice %arg4[%mul3A_33, %dma_wait3A_40] : memref<10000x128xf32, #tpu.memory_space<hbm>> -> memref<400x128xf32, #tpu.memory_space<hbm>>
          tpu.wait_dma2 semaphore(%run_scoped3A : memref<!tpu.dma_semaphore, #tpu.memory_space<semaphore_mem>>) src(%dma_wait3A_41 : memref<400x128xf32, #tpu.memory_space<hbm>>) dst(%dma_wait3A_39 : memref<400x128xf32, #tpu.memory_space<vmem_shared>>)
          tpu.yield
        }) : () -> ()
      } else {
      }
    }
    %scan3A_4 = arith.constant 25 : i32
    "tpu.region"() ({
      %run_scoped3A = tpu.sem_alloc : memref<!tpu.dma_semaphore, #tpu.memory_space<semaphore_mem>>
      %dma_start3A = arith.constant 0 : i32
      %dma_start3A_16 = arith.constant 0 : i32
      %dma_start3A_17 = tpu.memref_slice %arg2[%add3A, %dma_start3A, %dma_start3A_16] : memref<32x80x125xi32, #tpu.memory_space<hbm>> -> memref<1x80x125xi32, #tpu.memory_space<hbm>>
      %dma_start3A_18 = tpu.memref_squeeze %dma_start3A_17 : memref<1x80x125xi32, #tpu.memory_space<hbm>> -> memref<80x125xi32, #tpu.memory_space<hbm>>
      %dma_start3A_19 = arith.constant 0 : i32
      %dma_start3A_20 = arith.constant 0 : i32
      %dma_start3A_21 = tpu.memref_slice %arg2[%add3A, %dma_start3A_19, %dma_start3A_20] : memref<32x80x125xi32, #tpu.memory_space<hbm>> -> memref<1x80x125xi32, #tpu.memory_space<hbm>>
      %dma_start3A_22 = tpu.memref_squeeze %dma_start3A_21 : memref<1x80x125xi32, #tpu.memory_space<hbm>> -> memref<80x125xi32, #tpu.memory_space<hbm>>
      tpu.enqueue_dma source(%dma_start3A_22 : memref<80x125xi32, #tpu.memory_space<hbm>>) target(%arg6 : memref<80x125xi32, #tpu.memory_space<vmem>>) target_semaphore(%run_scoped3A : memref<!tpu.dma_semaphore, #tpu.memory_space<semaphore_mem>>)
      %dma_wait3A = arith.constant 0 : i32
      %dma_wait3A_23 = arith.constant 0 : i32
      %dma_wait3A_24 = tpu.memref_slice %arg2[%add3A, %dma_wait3A, %dma_wait3A_23] : memref<32x80x125xi32, #tpu.memory_space<hbm>> -> memref<1x80x125xi32, #tpu.memory_space<hbm>>
      %dma_wait3A_25 = tpu.memref_squeeze %dma_wait3A_24 : memref<1x80x125xi32, #tpu.memory_space<hbm>> -> memref<80x125xi32, #tpu.memory_space<hbm>>
      %dma_wait3A_26 = arith.constant 0 : i32
      %dma_wait3A_27 = arith.constant 0 : i32
      %dma_wait3A_28 = tpu.memref_slice %arg2[%add3A, %dma_wait3A_26, %dma_wait3A_27] : memref<32x80x125xi32, #tpu.memory_space<hbm>> -> memref<1x80x125xi32, #tpu.memory_space<hbm>>
      %dma_wait3A_29 = tpu.memref_squeeze %dma_wait3A_28 : memref<1x80x125xi32, #tpu.memory_space<hbm>> -> memref<80x125xi32, #tpu.memory_space<hbm>>
      tpu.wait_dma2 semaphore(%run_scoped3A : memref<!tpu.dma_semaphore, #tpu.memory_space<semaphore_mem>>) src(%dma_wait3A_29 : memref<80x125xi32, #tpu.memory_space<hbm>>) dst(%arg6 : memref<80x125xi32, #tpu.memory_space<vmem>>)
      tpu.yield
    }) : () -> ()
    "tpu.region"() ({
      %run_scoped3A = tpu.sem_alloc : memref<!tpu.dma_semaphore, #tpu.memory_space<semaphore_mem>>
      tpu.enqueue_dma source(%arg3 : memref<125x128xf32, #tpu.memory_space<hbm>>) target(%arg7 : memref<125x128xf32, #tpu.memory_space<vmem>>) target_semaphore(%run_scoped3A : memref<!tpu.dma_semaphore, #tpu.memory_space<semaphore_mem>>)
      tpu.wait_dma2 semaphore(%run_scoped3A : memref<!tpu.dma_semaphore, #tpu.memory_space<semaphore_mem>>) src(%arg3 : memref<125x128xf32, #tpu.memory_space<hbm>>) dst(%arg7 : memref<125x128xf32, #tpu.memory_space<vmem>>)
      tpu.yield
    }) : () -> ()
    %barrier3A = arith.constant 0 : index
    tpu.barrier barrier_id(%barrier3A)
    %scan3A_5 = arith.constant 0 : i32
    %scan3A_6 = arith.constant 10 : i32
    %scan3A_7 = arith.addi %scan3A_5, %scan3A_6 : i32
    %scan3A_8 = arith.constant 1 : i32
    scf.for %scan3A_16 = %scan3A_5 to %scan3A_7 step %scan3A_8  : i32 {
      %mul3A_17 = arith.constant 1 : i32
      %mul3A_18 = arith.muli %scan3A_16, %mul3A_17 : i32
      %add3A_19 = arith.constant 0 : i32
      %add3A_20 = arith.addi %add3A_19, %mul3A_18 : i32
      %mul3A_21 = arith.constant 8 : i32
      %mul3A_22 = arith.muli %add3A_20, %mul3A_21 : i32
      %add3A_23 = arith.constant 0 : i32
      %add3A_24 = arith.addi %mul3A_22, %add3A_23 : i32
      %dma_start3A = arith.constant 0 : i32
      %dma_start3A_25 = tpu.memref_slice %arg6[%add3A_24, %dma_start3A] : memref<80x125xi32, #tpu.memory_space<vmem>> -> memref<1x125xi32, #tpu.memory_space<vmem>>
      %dma_start3A_26 = tpu.memref_squeeze %dma_start3A_25 : memref<1x125xi32, #tpu.memory_space<vmem>> -> memref<125xi32, #tpu.memory_space<vmem>>
      %dma_start3A_27 = arith.constant 0 : i32
      %dma_start3A_28 = arith.constant 0 : i32
      %dma_start3A_29 = tpu.memref_slice %arg8[%dma_start3A_27, %dma_start3A_28] : memref<10000x128xf32, #tpu.memory_space<vmem_shared>> -> memref<10000x128xf32, #tpu.memory_space<vmem_shared>>
      tpu.enqueue_indirect_dma source(%arg7 : memref<125x128xf32, #tpu.memory_space<vmem>>) target(%dma_start3A_29 : memref<10000x128xf32, #tpu.memory_space<vmem_shared>>) offsets(%dma_start3A_26 : memref<125xi32, #tpu.memory_space<vmem>>) semaphore(%arg9 : memref<!tpu.dma_semaphore, #tpu.memory_space<semaphore_mem>>) {add = true}
      %mul3A_30 = arith.constant 8 : i32
      %mul3A_31 = arith.muli %add3A_20, %mul3A_30 : i32
      %add3A_32 = arith.constant 1 : i32
      %add3A_33 = arith.addi %mul3A_31, %add3A_32 : i32
      %dma_start3A_34 = arith.constant 0 : i32
      %dma_start3A_35 = tpu.memref_slice %arg6[%add3A_33, %dma_start3A_34] : memref<80x125xi32, #tpu.memory_space<vmem>> -> memref<1x125xi32, #tpu.memory_space<vmem>>
      %dma_start3A_36 = tpu.memref_squeeze %dma_start3A_35 : memref<1x125xi32, #tpu.memory_space<vmem>> -> memref<125xi32, #tpu.memory_space<vmem>>
      %dma_start3A_37 = arith.constant 0 : i32
      %dma_start3A_38 = arith.constant 0 : i32
      %dma_start3A_39 = tpu.memref_slice %arg8[%dma_start3A_37, %dma_start3A_38] : memref<10000x128xf32, #tpu.memory_space<vmem_shared>> -> memref<10000x128xf32, #tpu.memory_space<vmem_shared>>
      tpu.enqueue_indirect_dma source(%arg7 : memref<125x128xf32, #tpu.memory_space<vmem>>) target(%dma_start3A_39 : memref<10000x128xf32, #tpu.memory_space<vmem_shared>>) offsets(%dma_start3A_36 : memref<125xi32, #tpu.memory_space<vmem>>) semaphore(%arg9 : memref<!tpu.dma_semaphore, #tpu.memory_space<semaphore_mem>>) {add = true}
      %mul3A_40 = arith.constant 8 : i32
      %mul3A_41 = arith.muli %add3A_20, %mul3A_40 : i32
      %add3A_42 = arith.constant 2 : i32
      %add3A_43 = arith.addi %mul3A_41, %add3A_42 : i32
      %dma_start3A_44 = arith.constant 0 : i32
      %dma_start3A_45 = tpu.memref_slice %arg6[%add3A_43, %dma_start3A_44] : memref<80x125xi32, #tpu.memory_space<vmem>> -> memref<1x125xi32, #tpu.memory_space<vmem>>
      %dma_start3A_46 = tpu.memref_squeeze %dma_start3A_45 : memref<1x125xi32, #tpu.memory_space<vmem>> -> memref<125xi32, #tpu.memory_space<vmem>>
      %dma_start3A_47 = arith.constant 0 : i32
      %dma_start3A_48 = arith.constant 0 : i32
      %dma_start3A_49 = tpu.memref_slice %arg8[%dma_start3A_47, %dma_start3A_48] : memref<10000x128xf32, #tpu.memory_space<vmem_shared>> -> memref<10000x128xf32, #tpu.memory_space<vmem_shared>>
      tpu.enqueue_indirect_dma source(%arg7 : memref<125x128xf32, #tpu.memory_space<vmem>>) target(%dma_start3A_49 : memref<10000x128xf32, #tpu.memory_space<vmem_shared>>) offsets(%dma_start3A_46 : memref<125xi32, #tpu.memory_space<vmem>>) semaphore(%arg9 : memref<!tpu.dma_semaphore, #tpu.memory_space<semaphore_mem>>) {add = true}
      %mul3A_50 = arith.constant 8 : i32
      %mul3A_51 = arith.muli %add3A_20, %mul3A_50 : i32
      %add3A_52 = arith.constant 3 : i32
      %add3A_53 = arith.addi %mul3A_51, %add3A_52 : i32
      %dma_start3A_54 = arith.constant 0 : i32
      %dma_start3A_55 = tpu.memref_slice %arg6[%add3A_53, %dma_start3A_54] : memref<80x125xi32, #tpu.memory_space<vmem>> -> memref<1x125xi32, #tpu.memory_space<vmem>>
      %dma_start3A_56 = tpu.memref_squeeze %dma_start3A_55 : memref<1x125xi32, #tpu.memory_space<vmem>> -> memref<125xi32, #tpu.memory_space<vmem>>
      %dma_start3A_57 = arith.constant 0 : i32
      %dma_start3A_58 = arith.constant 0 : i32
      %dma_start3A_59 = tpu.memref_slice %arg8[%dma_start3A_57, %dma_start3A_58] : memref<10000x128xf32, #tpu.memory_space<vmem_shared>> -> memref<10000x128xf32, #tpu.memory_space<vmem_shared>>
      tpu.enqueue_indirect_dma source(%arg7 : memref<125x128xf32, #tpu.memory_space<vmem>>) target(%dma_start3A_59 : memref<10000x128xf32, #tpu.memory_space<vmem_shared>>) offsets(%dma_start3A_56 : memref<125xi32, #tpu.memory_space<vmem>>) semaphore(%arg9 : memref<!tpu.dma_semaphore, #tpu.memory_space<semaphore_mem>>) {add = true}
      %mul3A_60 = arith.constant 8 : i32
      %mul3A_61 = arith.muli %add3A_20, %mul3A_60 : i32
      %add3A_62 = arith.constant 4 : i32
      %add3A_63 = arith.addi %mul3A_61, %add3A_62 : i32
      %dma_start3A_64 = arith.constant 0 : i32
      %dma_start3A_65 = tpu.memref_slice %arg6[%add3A_63, %dma_start3A_64] : memref<80x125xi32, #tpu.memory_space<vmem>> -> memref<1x125xi32, #tpu.memory_space<vmem>>
      %dma_start3A_66 = tpu.memref_squeeze %dma_start3A_65 : memref<1x125xi32, #tpu.memory_space<vmem>> -> memref<125xi32, #tpu.memory_space<vmem>>
      %dma_start3A_67 = arith.constant 0 : i32
      %dma_start3A_68 = arith.constant 0 : i32
      %dma_start3A_69 = tpu.memref_slice %arg8[%dma_start3A_67, %dma_start3A_68] : memref<10000x128xf32, #tpu.memory_space<vmem_shared>> -> memref<10000x128xf32, #tpu.memory_space<vmem_shared>>
      tpu.enqueue_indirect_dma source(%arg7 : memref<125x128xf32, #tpu.memory_space<vmem>>) target(%dma_start3A_69 : memref<10000x128xf32, #tpu.memory_space<vmem_shared>>) offsets(%dma_start3A_66 : memref<125xi32, #tpu.memory_space<vmem>>) semaphore(%arg9 : memref<!tpu.dma_semaphore, #tpu.memory_space<semaphore_mem>>) {add = true}
      %mul3A_70 = arith.constant 8 : i32
      %mul3A_71 = arith.muli %add3A_20, %mul3A_70 : i32
      %add3A_72 = arith.constant 5 : i32
      %add3A_73 = arith.addi %mul3A_71, %add3A_72 : i32
      %dma_start3A_74 = arith.constant 0 : i32
      %dma_start3A_75 = tpu.memref_slice %arg6[%add3A_73, %dma_start3A_74] : memref<80x125xi32, #tpu.memory_space<vmem>> -> memref<1x125xi32, #tpu.memory_space<vmem>>
      %dma_start3A_76 = tpu.memref_squeeze %dma_start3A_75 : memref<1x125xi32, #tpu.memory_space<vmem>> -> memref<125xi32, #tpu.memory_space<vmem>>
      %dma_start3A_77 = arith.constant 0 : i32
      %dma_start3A_78 = arith.constant 0 : i32
      %dma_start3A_79 = tpu.memref_slice %arg8[%dma_start3A_77, %dma_start3A_78] : memref<10000x128xf32, #tpu.memory_space<vmem_shared>> -> memref<10000x128xf32, #tpu.memory_space<vmem_shared>>
      tpu.enqueue_indirect_dma source(%arg7 : memref<125x128xf32, #tpu.memory_space<vmem>>) target(%dma_start3A_79 : memref<10000x128xf32, #tpu.memory_space<vmem_shared>>) offsets(%dma_start3A_76 : memref<125xi32, #tpu.memory_space<vmem>>) semaphore(%arg9 : memref<!tpu.dma_semaphore, #tpu.memory_space<semaphore_mem>>) {add = true}
      %mul3A_80 = arith.constant 8 : i32
      %mul3A_81 = arith.muli %add3A_20, %mul3A_80 : i32
      %add3A_82 = arith.constant 6 : i32
      %add3A_83 = arith.addi %mul3A_81, %add3A_82 : i32
      %dma_start3A_84 = arith.constant 0 : i32
      %dma_start3A_85 = tpu.memref_slice %arg6[%add3A_83, %dma_start3A_84] : memref<80x125xi32, #tpu.memory_space<vmem>> -> memref<1x125xi32, #tpu.memory_space<vmem>>
      %dma_start3A_86 = tpu.memref_squeeze %dma_start3A_85 : memref<1x125xi32, #tpu.memory_space<vmem>> -> memref<125xi32, #tpu.memory_space<vmem>>
      %dma_start3A_87 = arith.constant 0 : i32
      %dma_start3A_88 = arith.constant 0 : i32
      %dma_start3A_89 = tpu.memref_slice %arg8[%dma_start3A_87, %dma_start3A_88] : memref<10000x128xf32, #tpu.memory_space<vmem_shared>> -> memref<10000x128xf32, #tpu.memory_space<vmem_shared>>
      tpu.enqueue_indirect_dma source(%arg7 : memref<125x128xf32, #tpu.memory_space<vmem>>) target(%dma_start3A_89 : memref<10000x128xf32, #tpu.memory_space<vmem_shared>>) offsets(%dma_start3A_86 : memref<125xi32, #tpu.memory_space<vmem>>) semaphore(%arg9 : memref<!tpu.dma_semaphore, #tpu.memory_space<semaphore_mem>>) {add = true}
      %mul3A_90 = arith.constant 8 : i32
      %mul3A_91 = arith.muli %add3A_20, %mul3A_90 : i32
      %add3A_92 = arith.constant 7 : i32
      %add3A_93 = arith.addi %mul3A_91, %add3A_92 : i32
      %dma_start3A_94 = arith.constant 0 : i32
      %dma_start3A_95 = tpu.memref_slice %arg6[%add3A_93, %dma_start3A_94] : memref<80x125xi32, #tpu.memory_space<vmem>> -> memref<1x125xi32, #tpu.memory_space<vmem>>
      %dma_start3A_96 = tpu.memref_squeeze %dma_start3A_95 : memref<1x125xi32, #tpu.memory_space<vmem>> -> memref<125xi32, #tpu.memory_space<vmem>>
      %dma_start3A_97 = arith.constant 0 : i32
      %dma_start3A_98 = arith.constant 0 : i32
      %dma_start3A_99 = tpu.memref_slice %arg8[%dma_start3A_97, %dma_start3A_98] : memref<10000x128xf32, #tpu.memory_space<vmem_shared>> -> memref<10000x128xf32, #tpu.memory_space<vmem_shared>>
      tpu.enqueue_indirect_dma source(%arg7 : memref<125x128xf32, #tpu.memory_space<vmem>>) target(%dma_start3A_99 : memref<10000x128xf32, #tpu.memory_space<vmem_shared>>) offsets(%dma_start3A_96 : memref<125xi32, #tpu.memory_space<vmem>>) semaphore(%arg9 : memref<!tpu.dma_semaphore, #tpu.memory_space<semaphore_mem>>) {add = true}
      %mul3A_100 = arith.constant 8 : i32
      %mul3A_101 = arith.muli %add3A_20, %mul3A_100 : i32
      %add3A_102 = arith.constant 0 : i32
      %add3A_103 = arith.addi %mul3A_101, %add3A_102 : i32
      %dma_wait3A = arith.constant 0 : i32
      %dma_wait3A_104 = tpu.memref_slice %arg6[%add3A_103, %dma_wait3A] : memref<80x125xi32, #tpu.memory_space<vmem>> -> memref<1x125xi32, #tpu.memory_space<vmem>>
      %dma_wait3A_105 = tpu.memref_squeeze %dma_wait3A_104 : memref<1x125xi32, #tpu.memory_space<vmem>> -> memref<125xi32, #tpu.memory_space<vmem>>
      %dma_wait3A_106 = arith.constant 0 : i32
      %dma_wait3A_107 = arith.constant 0 : i32
      %dma_wait3A_108 = tpu.memref_slice %arg8[%dma_wait3A_106, %dma_wait3A_107] : memref<10000x128xf32, #tpu.memory_space<vmem_shared>> -> memref<10000x128xf32, #tpu.memory_space<vmem_shared>>
      tpu.wait_indirect_dma semaphore(%arg9 : memref<!tpu.dma_semaphore, #tpu.memory_space<semaphore_mem>>) src(%arg7 : memref<125x128xf32, #tpu.memory_space<vmem>>) dst(%dma_wait3A_108 : memref<10000x128xf32, #tpu.memory_space<vmem_shared>>)
      %mul3A_109 = arith.constant 8 : i32
      %mul3A_110 = arith.muli %add3A_20, %mul3A_109 : i32
      %add3A_111 = arith.constant 1 : i32
      %add3A_112 = arith.addi %mul3A_110, %add3A_111 : i32
      %dma_wait3A_113 = arith.constant 0 : i32
      %dma_wait3A_114 = tpu.memref_slice %arg6[%add3A_112, %dma_wait3A_113] : memref<80x125xi32, #tpu.memory_space<vmem>> -> memref<1x125xi32, #tpu.memory_space<vmem>>
      %dma_wait3A_115 = tpu.memref_squeeze %dma_wait3A_114 : memref<1x125xi32, #tpu.memory_space<vmem>> -> memref<125xi32, #tpu.memory_space<vmem>>
      %dma_wait3A_116 = arith.constant 0 : i32
      %dma_wait3A_117 = arith.constant 0 : i32
      %dma_wait3A_118 = tpu.memref_slice %arg8[%dma_wait3A_116, %dma_wait3A_117] : memref<10000x128xf32, #tpu.memory_space<vmem_shared>> -> memref<10000x128xf32, #tpu.memory_space<vmem_shared>>
      tpu.wait_indirect_dma semaphore(%arg9 : memref<!tpu.dma_semaphore, #tpu.memory_space<semaphore_mem>>) src(%arg7 : memref<125x128xf32, #tpu.memory_space<vmem>>) dst(%dma_wait3A_118 : memref<10000x128xf32, #tpu.memory_space<vmem_shared>>)
      %mul3A_119 = arith.constant 8 : i32
      %mul3A_120 = arith.muli %add3A_20, %mul3A_119 : i32
      %add3A_121 = arith.constant 2 : i32
      %add3A_122 = arith.addi %mul3A_120, %add3A_121 : i32
      %dma_wait3A_123 = arith.constant 0 : i32
      %dma_wait3A_124 = tpu.memref_slice %arg6[%add3A_122, %dma_wait3A_123] : memref<80x125xi32, #tpu.memory_space<vmem>> -> memref<1x125xi32, #tpu.memory_space<vmem>>
      %dma_wait3A_125 = tpu.memref_squeeze %dma_wait3A_124 : memref<1x125xi32, #tpu.memory_space<vmem>> -> memref<125xi32, #tpu.memory_space<vmem>>
      %dma_wait3A_126 = arith.constant 0 : i32
      %dma_wait3A_127 = arith.constant 0 : i32
      %dma_wait3A_128 = tpu.memref_slice %arg8[%dma_wait3A_126, %dma_wait3A_127] : memref<10000x128xf32, #tpu.memory_space<vmem_shared>> -> memref<10000x128xf32, #tpu.memory_space<vmem_shared>>
      tpu.wait_indirect_dma semaphore(%arg9 : memref<!tpu.dma_semaphore, #tpu.memory_space<semaphore_mem>>) src(%arg7 : memref<125x128xf32, #tpu.memory_space<vmem>>) dst(%dma_wait3A_128 : memref<10000x128xf32, #tpu.memory_space<vmem_shared>>)
      %mul3A_129 = arith.constant 8 : i32
      %mul3A_130 = arith.muli %add3A_20, %mul3A_129 : i32
      %add3A_131 = arith.constant 3 : i32
      %add3A_132 = arith.addi %mul3A_130, %add3A_131 : i32
      %dma_wait3A_133 = arith.constant 0 : i32
      %dma_wait3A_134 = tpu.memref_slice %arg6[%add3A_132, %dma_wait3A_133] : memref<80x125xi32, #tpu.memory_space<vmem>> -> memref<1x125xi32, #tpu.memory_space<vmem>>
      %dma_wait3A_135 = tpu.memref_squeeze %dma_wait3A_134 : memref<1x125xi32, #tpu.memory_space<vmem>> -> memref<125xi32, #tpu.memory_space<vmem>>
      %dma_wait3A_136 = arith.constant 0 : i32
      %dma_wait3A_137 = arith.constant 0 : i32
      %dma_wait3A_138 = tpu.memref_slice %arg8[%dma_wait3A_136, %dma_wait3A_137] : memref<10000x128xf32, #tpu.memory_space<vmem_shared>> -> memref<10000x128xf32, #tpu.memory_space<vmem_shared>>
      tpu.wait_indirect_dma semaphore(%arg9 : memref<!tpu.dma_semaphore, #tpu.memory_space<semaphore_mem>>) src(%arg7 : memref<125x128xf32, #tpu.memory_space<vmem>>) dst(%dma_wait3A_138 : memref<10000x128xf32, #tpu.memory_space<vmem_shared>>)
      %mul3A_139 = arith.constant 8 : i32
      %mul3A_140 = arith.muli %add3A_20, %mul3A_139 : i32
      %add3A_141 = arith.constant 4 : i32
      %add3A_142 = arith.addi %mul3A_140, %add3A_141 : i32
      %dma_wait3A_143 = arith.constant 0 : i32
      %dma_wait3A_144 = tpu.memref_slice %arg6[%add3A_142, %dma_wait3A_143] : memref<80x125xi32, #tpu.memory_space<vmem>> -> memref<1x125xi32, #tpu.memory_space<vmem>>
      %dma_wait3A_145 = tpu.memref_squeeze %dma_wait3A_144 : memref<1x125xi32, #tpu.memory_space<vmem>> -> memref<125xi32, #tpu.memory_space<vmem>>
      %dma_wait3A_146 = arith.constant 0 : i32
      %dma_wait3A_147 = arith.constant 0 : i32
      %dma_wait3A_148 = tpu.memref_slice %arg8[%dma_wait3A_146, %dma_wait3A_147] : memref<10000x128xf32, #tpu.memory_space<vmem_shared>> -> memref<10000x128xf32, #tpu.memory_space<vmem_shared>>
      tpu.wait_indirect_dma semaphore(%arg9 : memref<!tpu.dma_semaphore, #tpu.memory_space<semaphore_mem>>) src(%arg7 : memref<125x128xf32, #tpu.memory_space<vmem>>) dst(%dma_wait3A_148 : memref<10000x128xf32, #tpu.memory_space<vmem_shared>>)
      %mul3A_149 = arith.constant 8 : i32
      %mul3A_150 = arith.muli %add3A_20, %mul3A_149 : i32
      %add3A_151 = arith.constant 5 : i32
      %add3A_152 = arith.addi %mul3A_150, %add3A_151 : i32
      %dma_wait3A_153 = arith.constant 0 : i32
      %dma_wait3A_154 = tpu.memref_slice %arg6[%add3A_152, %dma_wait3A_153] : memref<80x125xi32, #tpu.memory_space<vmem>> -> memref<1x125xi32, #tpu.memory_space<vmem>>
      %dma_wait3A_155 = tpu.memref_squeeze %dma_wait3A_154 : memref<1x125xi32, #tpu.memory_space<vmem>> -> memref<125xi32, #tpu.memory_space<vmem>>
      %dma_wait3A_156 = arith.constant 0 : i32
      %dma_wait3A_157 = arith.constant 0 : i32
      %dma_wait3A_158 = tpu.memref_slice %arg8[%dma_wait3A_156, %dma_wait3A_157] : memref<10000x128xf32, #tpu.memory_space<vmem_shared>> -> memref<10000x128xf32, #tpu.memory_space<vmem_shared>>
      tpu.wait_indirect_dma semaphore(%arg9 : memref<!tpu.dma_semaphore, #tpu.memory_space<semaphore_mem>>) src(%arg7 : memref<125x128xf32, #tpu.memory_space<vmem>>) dst(%dma_wait3A_158 : memref<10000x128xf32, #tpu.memory_space<vmem_shared>>)
      %mul3A_159 = arith.constant 8 : i32
      %mul3A_160 = arith.muli %add3A_20, %mul3A_159 : i32
      %add3A_161 = arith.constant 6 : i32
      %add3A_162 = arith.addi %mul3A_160, %add3A_161 : i32
      %dma_wait3A_163 = arith.constant 0 : i32
      %dma_wait3A_164 = tpu.memref_slice %arg6[%add3A_162, %dma_wait3A_163] : memref<80x125xi32, #tpu.memory_space<vmem>> -> memref<1x125xi32, #tpu.memory_space<vmem>>
      %dma_wait3A_165 = tpu.memref_squeeze %dma_wait3A_164 : memref<1x125xi32, #tpu.memory_space<vmem>> -> memref<125xi32, #tpu.memory_space<vmem>>
      %dma_wait3A_166 = arith.constant 0 : i32
      %dma_wait3A_167 = arith.constant 0 : i32
      %dma_wait3A_168 = tpu.memref_slice %arg8[%dma_wait3A_166, %dma_wait3A_167] : memref<10000x128xf32, #tpu.memory_space<vmem_shared>> -> memref<10000x128xf32, #tpu.memory_space<vmem_shared>>
      tpu.wait_indirect_dma semaphore(%arg9 : memref<!tpu.dma_semaphore, #tpu.memory_space<semaphore_mem>>) src(%arg7 : memref<125x128xf32, #tpu.memory_space<vmem>>) dst(%dma_wait3A_168 : memref<10000x128xf32, #tpu.memory_space<vmem_shared>>)
      %mul3A_169 = arith.constant 8 : i32
      %mul3A_170 = arith.muli %add3A_20, %mul3A_169 : i32
      %add3A_171 = arith.constant 7 : i32
      %add3A_172 = arith.addi %mul3A_170, %add3A_171 : i32
      %dma_wait3A_173 = arith.constant 0 : i32
      %dma_wait3A_174 = tpu.memref_slice %arg6[%add3A_172, %dma_wait3A_173] : memref<80x125xi32, #tpu.memory_space<vmem>> -> memref<1x125xi32, #tpu.memory_space<vmem>>
      %dma_wait3A_175 = tpu.memref_squeeze %dma_wait3A_174 : memref<1x125xi32, #tpu.memory_space<vmem>> -> memref<125xi32, #tpu.memory_space<vmem>>
      %dma_wait3A_176 = arith.constant 0 : i32
      %dma_wait3A_177 = arith.constant 0 : i32
      %dma_wait3A_178 = tpu.memref_slice %arg8[%dma_wait3A_176, %dma_wait3A_177] : memref<10000x128xf32, #tpu.memory_space<vmem_shared>> -> memref<10000x128xf32, #tpu.memory_space<vmem_shared>>
      tpu.wait_indirect_dma semaphore(%arg9 : memref<!tpu.dma_semaphore, #tpu.memory_space<semaphore_mem>>) src(%arg7 : memref<125x128xf32, #tpu.memory_space<vmem>>) dst(%dma_wait3A_178 : memref<10000x128xf32, #tpu.memory_space<vmem_shared>>)
    }
    %scan3A_9 = arith.constant 10 : i32
    %barrier3A_10 = arith.constant 0 : index
    tpu.barrier barrier_id(%barrier3A_10)
    %scan3A_11 = arith.constant 0 : i32
    %scan3A_12 = arith.constant 25 : i32
    %scan3A_13 = arith.addi %scan3A_11, %scan3A_12 : i32
    %scan3A_14 = arith.constant 1 : i32
    scf.for %scan3A_16 = %scan3A_11 to %scan3A_13 step %scan3A_14  : i32 {
      %mul3A_17 = arith.constant 1 : i32
      %mul3A_18 = arith.muli %scan3A_16, %mul3A_17 : i32
      %add3A_19 = arith.constant 0 : i32
      %add3A_20 = arith.addi %add3A_19, %mul3A_18 : i32
      %jit3A = arith.constant 16 : i32
      %eq3A = arith.constant 0 : i32
      %eq3A_21 = arith.cmpi eq, %jit3A, %eq3A : i32
      %jit3A_22 = arith.constant 1 : i32
      %select_n3A = arith.select %eq3A_21, %jit3A_22, %jit3A : i32
      %rem3A = arith.remsi %add3A_20, %select_n3A : i32
      %ne3A = arith.constant 0 : i32
      %ne3A_23 = arith.cmpi ne, %rem3A, %ne3A : i32
      %lt3A = arith.constant 0 : i32
      %lt3A_24 = arith.cmpi slt, %rem3A, %lt3A : i32
      %lt3A_25 = arith.constant 0 : i32
      %lt3A_26 = arith.cmpi slt, %select_n3A, %lt3A_25 : i32
      %ne3A_27 = arith.xori %lt3A_24, %lt3A_26 : i1
      %and3A = arith.andi %ne3A_27, %ne3A_23 : i1
      %add3A_28 = arith.addi %rem3A, %select_n3A : i32
      %select_n3A_29 = arith.select %and3A, %add3A_28, %rem3A : i32
      %eq3A_30 = arith.cmpi eq, %select_n3A_29, %arg1 : i32
      %convert_element_type3A = arith.extui %eq3A_30 : i1 to i32
      %cond3A = arith.constant 0 : i32
      %cond3A_31 = arith.cmpi ne, %convert_element_type3A, %cond3A : i32
      scf.if %cond3A_31 {
        %mul3A_32 = arith.constant 400 : i32
        %mul3A_33 = arith.muli %add3A_20, %mul3A_32 : i32
        %mul3A_34 = arith.constant 400 : i32
        %mul3A_35 = arith.muli %add3A_20, %mul3A_34 : i32
        "tpu.region"() ({
          %run_scoped3A = tpu.sem_alloc : memref<!tpu.dma_semaphore, #tpu.memory_space<semaphore_mem>>
          %dma_start3A = arith.constant 0 : i32
          %dma_start3A_36 = tpu.memref_slice %arg5[%arg0, %mul3A_35, %dma_start3A] : memref<2x10000x128xf32, #tpu.memory_space<hbm>> -> memref<1x400x128xf32, #tpu.memory_space<hbm>>
          %dma_start3A_37 = tpu.memref_squeeze %dma_start3A_36 : memref<1x400x128xf32, #tpu.memory_space<hbm>> -> memref<400x128xf32, #tpu.memory_space<hbm>>
          %dma_start3A_38 = arith.constant 0 : i32
          %dma_start3A_39 = tpu.memref_slice %arg8[%mul3A_33, %dma_start3A_38] : memref<10000x128xf32, #tpu.memory_space<vmem_shared>> -> memref<400x128xf32, #tpu.memory_space<vmem_shared>>
          tpu.enqueue_dma source(%dma_start3A_39 : memref<400x128xf32, #tpu.memory_space<vmem_shared>>) target(%dma_start3A_37 : memref<400x128xf32, #tpu.memory_space<hbm>>) target_semaphore(%run_scoped3A : memref<!tpu.dma_semaphore, #tpu.memory_space<semaphore_mem>>)
          %dma_wait3A = arith.constant 0 : i32
          %dma_wait3A_40 = tpu.memref_slice %arg5[%arg0, %mul3A_35, %dma_wait3A] : memref<2x10000x128xf32, #tpu.memory_space<hbm>> -> memref<1x400x128xf32, #tpu.memory_space<hbm>>
          %dma_wait3A_41 = tpu.memref_squeeze %dma_wait3A_40 : memref<1x400x128xf32, #tpu.memory_space<hbm>> -> memref<400x128xf32, #tpu.memory_space<hbm>>
          %dma_wait3A_42 = arith.constant 0 : i32
          %dma_wait3A_43 = tpu.memref_slice %arg8[%mul3A_33, %dma_wait3A_42] : memref<10000x128xf32, #tpu.memory_space<vmem_shared>> -> memref<400x128xf32, #tpu.memory_space<vmem_shared>>
          tpu.wait_dma2 semaphore(%run_scoped3A : memref<!tpu.dma_semaphore, #tpu.memory_space<semaphore_mem>>) src(%dma_wait3A_43 : memref<400x128xf32, #tpu.memory_space<vmem_shared>>) dst(%dma_wait3A_41 : memref<400x128xf32, #tpu.memory_space<hbm>>)
          tpu.yield
        }) : () -> ()
      } else {
      }
    }
    %scan3A_15 = arith.constant 25 : i32
    return
  }
}

module attributes {stable_mosaic.version = 14 : i64} {
  func.func @_matmul_body(%arg0: i32, %arg1: memref<1000x128xf32, #tpu.memory_space<vmem>>, %arg2: memref<128x128xf32, #tpu.memory_space<vmem>>, %arg3: memref<1000x128xf32, #tpu.memory_space<vmem>>) attributes {dimension_semantics = [#tpu.dimension_semantics<arbitrary>], iteration_bounds = array<i64: 10>, scalar_prefetch = 0 : i64, scratch_operands = 0 : i64, tpu.core_type = #tpu.core_type<tc>, window_params = [{transform_indices = @transform_0, window_bounds = array<i64: 1000, 128>}, {pipeline_mode = #tpu.pipeline_mode<synchronous>, transform_indices = @transform_1, window_bounds = array<i64: 128, 128>}, {transform_indices = @transform_2, window_bounds = array<i64: 1000, 128>}]} {
    %get3A = arith.constant 0 : index
    %get3A_0 = arith.constant 0 : index
    %get3A_1 = vector.load %arg1[%get3A, %get3A_0] : memref<1000x128xf32, #tpu.memory_space<vmem>>, vector<1000x128xf32>
    %get3A_2 = arith.constant 0 : index
    %get3A_3 = arith.constant 0 : index
    %get3A_4 = vector.load %arg2[%get3A_2, %get3A_3] : memref<128x128xf32, #tpu.memory_space<vmem>>, vector<128x128xf32>
    %dot_general3A = arith.constant dense<0.000000e+00> : vector<1000x128xf32>
    %dot_general3A_5 = tpu.matmul %get3A_1, %get3A_4, %dot_general3A {dimension_numbers = #tpu.dot_dimension_numbers<[1], [0], [0], [1], [0, 0, 1, 1], [], []>, transpose_lhs_hint = false} : vector<1000x128xf32>, vector<128x128xf32>, vector<1000x128xf32> -> vector<1000x128xf32>
    %swap3A = arith.constant 0 : index
    %swap3A_6 = arith.constant 0 : index
    %swap3A_7 = vector.load %arg3[%swap3A, %swap3A_6] : memref<1000x128xf32, #tpu.memory_space<vmem>>, vector<1000x128xf32>
    tpu.vector_store %arg3[%swap3A, %swap3A_6], %dot_general3A_5 {strides = array<i32>} : memref<1000x128xf32, #tpu.memory_space<vmem>>, vector<1000x128xf32>,
    return
  }
  func.func @transform_0(%arg0: i32) -> (i32, i32) {
    %c0_i32 = arith.constant 0 : i32
    %c0_i32_0 = arith.constant 0 : i32
    return %arg0, %c0_i32 : i32, i32
  }
  func.func @transform_1(%arg0: i32) -> (i32, i32) {
    %c0_i32 = arith.constant 0 : i32
    %c0_i32_0 = arith.constant 0 : i32
    %c0_i32_1 = arith.constant 0 : i32
    return %c0_i32, %c0_i32_0 : i32, i32
  }
  func.func @transform_2(%arg0: i32) -> (i32, i32) {
    %c0_i32 = arith.constant 0 : i32
    %c0_i32_0 = arith.constant 0 : i32
    return %arg0, %c0_i32 : i32, i32
  }
}

module attributes {stable_mosaic.version = 14 : i64} {
  func.func @_scale_body(%arg0: i32, %arg1: memref<2x1000x128xf32, #tpu.memory_space<vmem>>, %arg2: memref<1000x128xf32, #tpu.memory_space<vmem>>, %arg3: memref<1000x128xf32, #tpu.memory_space<vmem>>, %arg4: memref<1000x16xf32, #tpu.memory_space<vmem>>) attributes {dimension_semantics = [#tpu.dimension_semantics<arbitrary>], iteration_bounds = array<i64: 10>, scalar_prefetch = 0 : i64, scratch_operands = 0 : i64, tpu.core_type = #tpu.core_type<tc>, window_params = [{transform_indices = @transform_0, window_bounds = array<i64: 2, 1000, 128>}, {transform_indices = @transform_1, window_bounds = array<i64: 1000, 128>}, {transform_indices = @transform_2, window_bounds = array<i64: 1000, 128>}, {transform_indices = @transform_3, window_bounds = array<i64: 1000, 16>}]} {
    %get3A = arith.constant 0 : index
    %get3A_0 = arith.constant 0 : index
    %get3A_1 = arith.constant 0 : index
    %get3A_2 = vector.load %arg1[%get3A, %get3A_0, %get3A_1] : memref<2x1000x128xf32, #tpu.memory_space<vmem>>, vector<1x1000x1xf32>
    %get3A_3 = vector.shape_cast %get3A_2 : vector<1x1000x1xf32> to vector<1000x1xf32>
    %get3A_4 = arith.constant 1 : index
    %get3A_5 = arith.constant 0 : index
    %get3A_6 = arith.constant 0 : index
    %get3A_7 = vector.load %arg1[%get3A_4, %get3A_5, %get3A_6] : memref<2x1000x128xf32, #tpu.memory_space<vmem>>, vector<1x1000x1xf32>
    %get3A_8 = vector.shape_cast %get3A_7 : vector<1x1000x1xf32> to vector<1000x1xf32>
    %add3A = arith.addf %get3A_3, %get3A_8 : vector<1000x1xf32>
    %add3A_9 = arith.constant 1.000000e+00 : f32
    %add3A_10 = vector.broadcast %add3A_9 : f32 to vector<1000x1xf32>
    %add3A_11 = arith.addf %add3A, %add3A_10 : vector<1000x1xf32>
    %rsqrt3A = math.rsqrt %add3A_11 : vector<1000x1xf32>
    %get3A_12 = arith.constant 0 : index
    %get3A_13 = arith.constant 0 : index
    %get3A_14 = vector.load %arg2[%get3A_12, %get3A_13] : memref<1000x128xf32, #tpu.memory_space<vmem>>, vector<1000x128xf32>
    %mul3A = vector.broadcast %rsqrt3A : vector<1000x1xf32> to vector<1000x128xf32>
    %mul3A_15 = arith.mulf %get3A_14, %mul3A : vector<1000x128xf32>
    %swap3A = arith.constant 0 : index
    %swap3A_16 = arith.constant 0 : index
    %swap3A_17 = vector.load %arg3[%swap3A, %swap3A_16] : memref<1000x128xf32, #tpu.memory_space<vmem>>, vector<1000x128xf32>
    tpu.vector_store %arg3[%swap3A, %swap3A_16], %mul3A_15 {strides = array<i32>} : memref<1000x128xf32, #tpu.memory_space<vmem>>, vector<1000x128xf32>,
    %broadcast_in_dim3A = vector.shape_cast %rsqrt3A : vector<1000x1xf32> to vector<1000x1xf32>
    %broadcast_in_dim3A_18 = vector.broadcast %broadcast_in_dim3A : vector<1000x1xf32> to vector<1000x16xf32>
    %swap3A_19 = arith.constant 0 : index
    %swap3A_20 = arith.constant 0 : index
    %swap3A_21 = vector.load %arg4[%swap3A_19, %swap3A_20] : memref<1000x16xf32, #tpu.memory_space<vmem>>, vector<1000x16xf32>
    tpu.vector_store %arg4[%swap3A_19, %swap3A_20], %broadcast_in_dim3A_18 {strides = array<i32>} : memref<1000x16xf32, #tpu.memory_space<vmem>>, vector<1000x16xf32>,
    return
  }
  func.func @transform_0(%arg0: i32) -> (i32, i32, i32) {
    %c0_i32 = arith.constant 0 : i32
    %c0_i32_0 = arith.constant 0 : i32
    %c0_i32_1 = arith.constant 0 : i32
    return %c0_i32, %arg0, %c0_i32_0 : i32, i32, i32
  }
  func.func @transform_1(%arg0: i32) -> (i32, i32) {
    %c0_i32 = arith.constant 0 : i32
    %c0_i32_0 = arith.constant 0 : i32
    return %arg0, %c0_i32 : i32, i32
  }
  func.func @transform_2(%arg0: i32) -> (i32, i32) {
    %c0_i32 = arith.constant 0 : i32
    %c0_i32_0 = arith.constant 0 : i32
    return %arg0, %c0_i32 : i32, i32
  }
  func.func @transform_3(%arg0: i32) -> (i32, i32) {
    %c0_i32 = arith.constant 0 : i32
    %c0_i32_0 = arith.constant 0 : i32
    return %arg0, %c0_i32 : i32, i32
  }
}

module attributes {stable_mosaic.version = 14 : i64} {
  func.func @_mid_body(%arg0: i32, %arg1: memref<2x1000x128xf32, #tpu.memory_space<vmem>>, %arg2: memref<1000x128xf32, #tpu.memory_space<vmem>>, %arg3: memref<1000x16xf32, #tpu.memory_space<vmem>>, %arg4: memref<1x128xf32, #tpu.memory_space<vmem>>, %arg5: memref<128x128xf32, #tpu.memory_space<vmem>>, %arg6: memref<1000x128xf32, #tpu.memory_space<vmem>>) attributes {dimension_semantics = [#tpu.dimension_semantics<arbitrary>], iteration_bounds = array<i64: 10>, scalar_prefetch = 0 : i64, scratch_operands = 0 : i64, tpu.core_type = #tpu.core_type<tc>, window_params = [{transform_indices = @transform_0, window_bounds = array<i64: 2, 1000, 128>}, {transform_indices = @transform_1, window_bounds = array<i64: 1000, 128>}, {transform_indices = @transform_2, window_bounds = array<i64: 1000, 16>}, {pipeline_mode = #tpu.pipeline_mode<synchronous>, transform_indices = @transform_3, window_bounds = array<i64: 1, 128>}, {pipeline_mode = #tpu.pipeline_mode<synchronous>, transform_indices = @transform_4, window_bounds = array<i64: 128, 128>}, {transform_indices = @transform_5, window_bounds = array<i64: 1000, 128>}]} {
    %get3A = arith.constant 0 : index
    %get3A_0 = arith.constant 0 : index
    %get3A_1 = arith.constant 0 : index
    %get3A_2 = vector.load %arg1[%get3A, %get3A_0, %get3A_1] : memref<2x1000x128xf32, #tpu.memory_space<vmem>>, vector<1x1000x128xf32>
    %get3A_3 = vector.shape_cast %get3A_2 : vector<1x1000x128xf32> to vector<1000x128xf32>
    %get3A_4 = arith.constant 1 : index
    %get3A_5 = arith.constant 0 : index
    %get3A_6 = arith.constant 0 : index
    %get3A_7 = vector.load %arg1[%get3A_4, %get3A_5, %get3A_6] : memref<2x1000x128xf32, #tpu.memory_space<vmem>>, vector<1x1000x128xf32>
    %get3A_8 = vector.shape_cast %get3A_7 : vector<1x1000x128xf32> to vector<1000x128xf32>
    %add3A = arith.addf %get3A_3, %get3A_8 : vector<1000x128xf32>
    %get3A_9 = arith.constant 0 : index
    %get3A_10 = arith.constant 0 : index
    %get3A_11 = vector.load %arg2[%get3A_9, %get3A_10] : memref<1000x128xf32, #tpu.memory_space<vmem>>, vector<1000x128xf32>
    %add3A_12 = arith.addf %add3A, %get3A_11 : vector<1000x128xf32>
    %get3A_13 = arith.constant 0 : index
    %get3A_14 = arith.constant 0 : index
    %get3A_15 = vector.load %arg3[%get3A_13, %get3A_14] : memref<1000x16xf32, #tpu.memory_space<vmem>>, vector<1000x1xf32>
    %mul3A = vector.broadcast %get3A_15 : vector<1000x1xf32> to vector<1000x128xf32>
    %mul3A_16 = arith.mulf %add3A_12, %mul3A : vector<1000x128xf32>
    %get3A_17 = arith.constant 0 : index
    %get3A_18 = arith.constant 0 : index
    %get3A_19 = vector.load %arg4[%get3A_17, %get3A_18] : memref<1x128xf32, #tpu.memory_space<vmem>>, vector<1x128xf32>
    %add3A_20 = vector.broadcast %get3A_19 : vector<1x128xf32> to vector<1000x128xf32>
    %add3A_21 = arith.addf %mul3A_16, %add3A_20 : vector<1000x128xf32>
    %max3A = arith.constant 0.000000e+00 : f32
    %max3A_22 = vector.broadcast %max3A : f32 to vector<1000x128xf32>
    %max3A_23 = arith.maximumf %add3A_21, %max3A_22 : vector<1000x128xf32>
    %get3A_24 = arith.constant 0 : index
    %get3A_25 = arith.constant 0 : index
    %get3A_26 = vector.load %arg5[%get3A_24, %get3A_25] : memref<128x128xf32, #tpu.memory_space<vmem>>, vector<128x128xf32>
    %dot_general3A = arith.constant dense<0.000000e+00> : vector<1000x128xf32>
    %dot_general3A_27 = tpu.matmul %max3A_23, %get3A_26, %dot_general3A {dimension_numbers = #tpu.dot_dimension_numbers<[1], [0], [0], [1], [0, 0, 1, 1], [], []>, transpose_lhs_hint = false} : vector<1000x128xf32>, vector<128x128xf32>, vector<1000x128xf32> -> vector<1000x128xf32>
    %mul3A_28 = vector.broadcast %get3A_15 : vector<1000x1xf32> to vector<1000x128xf32>
    %mul3A_29 = arith.mulf %dot_general3A_27, %mul3A_28 : vector<1000x128xf32>
    %swap3A = arith.constant 0 : index
    %swap3A_30 = arith.constant 0 : index
    %swap3A_31 = vector.load %arg6[%swap3A, %swap3A_30] : memref<1000x128xf32, #tpu.memory_space<vmem>>, vector<1000x128xf32>
    tpu.vector_store %arg6[%swap3A, %swap3A_30], %mul3A_29 {strides = array<i32>} : memref<1000x128xf32, #tpu.memory_space<vmem>>, vector<1000x128xf32>,
    return
  }
  func.func @transform_0(%arg0: i32) -> (i32, i32, i32) {
    %c0_i32 = arith.constant 0 : i32
    %c0_i32_0 = arith.constant 0 : i32
    %c0_i32_1 = arith.constant 0 : i32
    return %c0_i32, %arg0, %c0_i32_0 : i32, i32, i32
  }
  func.func @transform_1(%arg0: i32) -> (i32, i32) {
    %c0_i32 = arith.constant 0 : i32
    %c0_i32_0 = arith.constant 0 : i32
    return %arg0, %c0_i32 : i32, i32
  }
  func.func @transform_2(%arg0: i32) -> (i32, i32) {
    %c0_i32 = arith.constant 0 : i32
    %c0_i32_0 = arith.constant 0 : i32
    return %arg0, %c0_i32 : i32, i32
  }
  func.func @transform_3(%arg0: i32) -> (i32, i32) {
    %c0_i32 = arith.constant 0 : i32
    %c0_i32_0 = arith.constant 0 : i32
    %c0_i32_1 = arith.constant 0 : i32
    return %c0_i32, %c0_i32_0 : i32, i32
  }
  func.func @transform_4(%arg0: i32) -> (i32, i32) {
    %c0_i32 = arith.constant 0 : i32
    %c0_i32_0 = arith.constant 0 : i32
    %c0_i32_1 = arith.constant 0 : i32
    return %c0_i32, %c0_i32_0 : i32, i32
  }
  func.func @transform_5(%arg0: i32) -> (i32, i32) {
    %c0_i32 = arith.constant 0 : i32
    %c0_i32_0 = arith.constant 0 : i32
    return %arg0, %c0_i32 : i32, i32
  }
}

module attributes {stable_mosaic.version = 14 : i64} {
  func.func @_final_body(%arg0: i32, %arg1: memref<2x1000x128xf32, #tpu.memory_space<vmem>>, %arg2: memref<1000x128xf32, #tpu.memory_space<vmem>>, %arg3: memref<1000x16xf32, #tpu.memory_space<vmem>>, %arg4: memref<1x128xf32, #tpu.memory_space<vmem>>, %arg5: memref<1000x128xf32, #tpu.memory_space<vmem>>) attributes {dimension_semantics = [#tpu.dimension_semantics<arbitrary>], iteration_bounds = array<i64: 10>, scalar_prefetch = 0 : i64, scratch_operands = 0 : i64, tpu.core_type = #tpu.core_type<tc>, window_params = [{transform_indices = @transform_0, window_bounds = array<i64: 2, 1000, 128>}, {transform_indices = @transform_1, window_bounds = array<i64: 1000, 128>}, {transform_indices = @transform_2, window_bounds = array<i64: 1000, 16>}, {pipeline_mode = #tpu.pipeline_mode<synchronous>, transform_indices = @transform_3, window_bounds = array<i64: 1, 128>}, {transform_indices = @transform_4, window_bounds = array<i64: 1000, 128>}]} {
    %get3A = arith.constant 0 : index
    %get3A_0 = arith.constant 0 : index
    %get3A_1 = arith.constant 0 : index
    %get3A_2 = vector.load %arg1[%get3A, %get3A_0, %get3A_1] : memref<2x1000x128xf32, #tpu.memory_space<vmem>>, vector<1x1000x128xf32>
    %get3A_3 = vector.shape_cast %get3A_2 : vector<1x1000x128xf32> to vector<1000x128xf32>
    %get3A_4 = arith.constant 1 : index
    %get3A_5 = arith.constant 0 : index
    %get3A_6 = arith.constant 0 : index
    %get3A_7 = vector.load %arg1[%get3A_4, %get3A_5, %get3A_6] : memref<2x1000x128xf32, #tpu.memory_space<vmem>>, vector<1x1000x128xf32>
    %get3A_8 = vector.shape_cast %get3A_7 : vector<1x1000x128xf32> to vector<1000x128xf32>
    %add3A = arith.addf %get3A_3, %get3A_8 : vector<1000x128xf32>
    %get3A_9 = arith.constant 0 : index
    %get3A_10 = arith.constant 0 : index
    %get3A_11 = vector.load %arg2[%get3A_9, %get3A_10] : memref<1000x128xf32, #tpu.memory_space<vmem>>, vector<1000x128xf32>
    %add3A_12 = arith.addf %add3A, %get3A_11 : vector<1000x128xf32>
    %get3A_13 = arith.constant 0 : index
    %get3A_14 = arith.constant 0 : index
    %get3A_15 = vector.load %arg3[%get3A_13, %get3A_14] : memref<1000x16xf32, #tpu.memory_space<vmem>>, vector<1000x1xf32>
    %mul3A = vector.broadcast %get3A_15 : vector<1000x1xf32> to vector<1000x128xf32>
    %mul3A_16 = arith.mulf %add3A_12, %mul3A : vector<1000x128xf32>
    %get3A_17 = arith.constant 0 : index
    %get3A_18 = arith.constant 0 : index
    %get3A_19 = vector.load %arg4[%get3A_17, %get3A_18] : memref<1x128xf32, #tpu.memory_space<vmem>>, vector<1x128xf32>
    %add3A_20 = vector.broadcast %get3A_19 : vector<1x128xf32> to vector<1000x128xf32>
    %add3A_21 = arith.addf %mul3A_16, %add3A_20 : vector<1000x128xf32>
    %swap3A = arith.constant 0 : index
    %swap3A_22 = arith.constant 0 : index
    %swap3A_23 = vector.load %arg5[%swap3A, %swap3A_22] : memref<1000x128xf32, #tpu.memory_space<vmem>>, vector<1000x128xf32>
    tpu.vector_store %arg5[%swap3A, %swap3A_22], %add3A_21 {strides = array<i32>} : memref<1000x128xf32, #tpu.memory_space<vmem>>, vector<1000x128xf32>,
    return
  }
  func.func @transform_0(%arg0: i32) -> (i32, i32, i32) {
    %c0_i32 = arith.constant 0 : i32
    %c0_i32_0 = arith.constant 0 : i32
    %c0_i32_1 = arith.constant 0 : i32
    return %c0_i32, %arg0, %c0_i32_0 : i32, i32, i32
  }
  func.func @transform_1(%arg0: i32) -> (i32, i32) {
    %c0_i32 = arith.constant 0 : i32
    %c0_i32_0 = arith.constant 0 : i32
    return %arg0, %c0_i32 : i32, i32
  }
  func.func @transform_2(%arg0: i32) -> (i32, i32) {
    %c0_i32 = arith.constant 0 : i32
    %c0_i32_0 = arith.constant 0 : i32
    return %arg0, %c0_i32 : i32, i32
  }
  func.func @transform_3(%arg0: i32) -> (i32, i32) {
    %c0_i32 = arith.constant 0 : i32
    %c0_i32_0 = arith.constant 0 : i32
    %c0_i32_1 = arith.constant 0 : i32
    return %c0_i32, %c0_i32_0 : i32, i32
  }
  func.func @transform_4(%arg0: i32) -> (i32, i32) {
    %c0_i32 = arith.constant 0 : i32
    %c0_i32_0 = arith.constant 0 : i32
    return %arg0, %c0_i32 : i32, i32
  }
}

</mosaic_0001>

<sc_bundles>
// kernel: kernel.12.cloned.1.call-start
scs
__scs_entry_jumppad:
0x0: {  	(pc) =	sbr.rel $0x88, $3  }
0x1: {  	(tag) =	ssettag $0x0;
	lr =	simm.s32 $0x1  }
0x2: {  	[smem:$0x3F9B] =	sst lr;
	_ =	strace $0xD0000000  }
0x3: {  	_ = 	snop  }
0x4: {  	_ = 	snop  }
0x5: {  	_ = 	snop  }
0x6: {  	_ = 	snop  }
0x7: {  	_ = 	snop  }
__scs_overlays_trampoline_lowered:
0x8: {  	[smem:$0x3FAA] =	sst s0  }
0x9: {  	[smem:$0x3FAB] =	sst s1  }
0xa: {  	[smem:$0x3FAC] =	sst s2  }
0xb: {  	[smem:$0x3FAD] =	sst s3  }
0xc: {  	[smem:$0x3FAE] =	sst s4  }
0xd: {  	[smem:$0x3FAF] =	sst s5  }
0xe: {  	[smem:$0x3FB0] =	sst s6  }
0xf: {  	[smem:$0x3FB1] =	sst s7  }
0x10: {  	[smem:$0x3FB2] =	sst s8  }
0x11: {  	[smem:$0x3FB3] =	sst s9;
	s0 =	simm.s32 @!p0 $0x0  }
0x12: {  	s1 =	sld [smem:$0x3F99];
	s0 =	simm.s32 @p0 $0x1  }
0x13: {  	[smem:$0x3FB4] =	sst s0;
	s0 =	simm.s32 @!p1 $0x0  }
0x14: {  	s2 =	sld [smem:$0x3F98];
	s0 =	simm.s32 @p1 $0x1  }
0x15: {  	[smem:$0x3FB5] =	sst s0;
	s0 =	simm.s32 @!p2 $0x0  }
0x16: {  	s3 =	sld [smem:$0x3FDB];
	s0 =	simm.s32 @p2 $0x1  }
0x17: {  	s4 =	simm.s32 $0x1BF5;
	[smem:$0x3FB7] =	sst s0  }
0x18: {  	s0 =	sld [smem:$0x3F9A];
	_ =	swait.ge [sflag:s4], $0x0  }
0x19: {  	s7 =	sld [smem:$0x3F9B]  }
0x1a: {  	s8 =	sadd.s32 $0xFFFFE003, lr  }
0x1b: {  	s9 =	sadd.s32 $0xFFFFFEF7, lr;
	s5 =	simm.s32 $0xFFFFFFFF;
	p2 =	slt.u32 s8, $0xFFFFF086  }
0x1c: {  	p1 =	slt.u32 s9, $0xF7A;
	s5 =	simm.s32 @!p2 $0x0  }
0x1d: {  	s5 =	simm.s32 @p1 $0x1;
	p0 =	seq.s32 s7, s2  }
0x1e: {  	s7 =	smul.u32 @!p0 $0xF7A, s2;
	p2 =	seq.s32 @!p0 s5, $0x0  }
0x1f: {  	s9 =	smul.u32 $0xF7A, s1;
	s8 =	simm.s32 @!p0 $0x1BF5;
	p2 =	por !p2, p0  }
0x20: {  	[sflag:s8] =	ssyncset.s32 @!p0 $0xFFFFF086;
	s6 =	sadd.s32 @!p0 s3, s7;
	s7 =	simm.s32 @!p0 $0x108  }
0x21: {  	s3 =	sadd.s32 s3, s9;
	s6 =	sadd.s32 @!p0 $0x88, s6;
	s7 =	simm.s32 @p2 $0x1082  }
0x22: {  	[simem:s7], [sflag:s8] =	dma.local @!p0 [hbm:s6], $0xF7A  }
0x23: {  	s9 =	sor.u32 $0xD0000000, s2;
	s6 =	simm.s32 $0x108;
	_ =	swait.ge @!p0 [sflag:s8], $0x0  }
0x24: {  	s3 =	sadd.s32 $0x88, s3;
	s6 =	simm.s32 @!p1 $0x1082;
	[sflag:s4] =	ssyncset.s32 $0xFFFFF086  }
0x25: {  	[simem:s6], [sflag:s4] =	dma.local [hbm:s3], $0xF7A  }
0x26: {  	[smem:$0x3F9B] =	sst s1;
	(tag) =	ssettag s2;
	_ =	strace s9  }
0x27: {  	s1 =	sld [smem:$0x3FAB]  }
0x28: {  	s2 =	sld [smem:$0x3FAC]  }
0x29: {  	s4 =	sld [smem:$0x3FAE]  }
0x2a: {  	p0 =	seq.s32 s5, $0x0;
	s5 =	sld [smem:$0x3FAF]  }
0x2b: {  	s6 =	sld [smem:$0x3FB0]  }
0x2c: {  	s7 =	sld [smem:$0x3FB1]  }
0x2d: {  	s3 =	simm.s32 $0x108;
	s8 =	sld [smem:$0x3FB2]  }
0x2e: {  	s3 =	simm.s32 @!p0 $0x1082;
	s9 =	sld [smem:$0x3FB3]  }
0x2f: {  	lr =	sadd.s32 s0, s3;
	s0 =	sld [smem:$0x3FAA]  }
0x30: {  	s3 =	sld [smem:$0x3FAD]  }
0x31: {  	[smem:$0x3FB6] =	sst s10  }
0x32: {  	s10 =	sld [smem:$0x3FB4];
	_ =	sdelay $0x3  }
0x33: {  	p0 =	seq.s32 s10, $0x1;
	s10 =	sld [smem:$0x3FB6];
	_ =	sdelay $0x3  }
0x34: {  	[smem:$0x3FB6] =	sst s10  }
0x35: {  	s10 =	sld [smem:$0x3FB5];
	_ =	sdelay $0x3  }
0x36: {  	p1 =	seq.s32 s10, $0x1;
	s10 =	sld [smem:$0x3FB6];
	_ =	sdelay $0x3  }
0x37: {  	[smem:$0x3FB6] =	sst s10  }
0x38: {  	s10 =	sld [smem:$0x3FB7]  }
0x39: {  	_ = 	snop;
	(pc) =	sbr.ind lr, $3  }
0x3a: {  	_ = 	snop  }
0x3b: {  	_ = 	snop  }
0x3c: {  	p2 =	seq.s32 s10, $0x1;
	s10 =	sld [smem:$0x3FB6]  }
0x3d: {  	_ =	shalt  }
0x3e: {  	_ =	shalt  }
0x3f: {  	_ =	shalt  }
0x40: {  	_ =	shalt  }
0x41: {  	_ =	shalt  }
0x42: {  	_ =	shalt  }
0x43: {  	_ =	shalt  }
0x44: {  	_ =	shalt  }
0x45: {  	_ =	shalt  }
0x46: {  	_ =	shalt  }
0x47: {  	_ =	shalt  }
0x48: {  	_ =	shalt  }
0x49: {  	_ =	shalt  }
0x4a: {  	_ =	shalt  }
0x4b: {  	_ =	shalt  }
0x4c: {  	_ =	shalt  }
0x4d: {  	_ =	shalt  }
0x4e: {  	_ =	shalt  }
0x4f: {  	_ =	shalt  }
0x50: {  	_ =	shalt  }
0x51: {  	_ =	shalt  }
0x52: {  	_ =	shalt  }
0x53: {  	_ =	shalt  }
0x54: {  	_ =	shalt  }
0x55: {  	_ =	shalt  }
0x56: {  	_ =	shalt  }
0x57: {  	_ =	shalt  }
0x58: {  	_ =	shalt  }
0x59: {  	_ =	shalt  }
0x5a: {  	_ =	shalt  }
0x5b: {  	_ =	shalt  }
0x5c: {  	_ =	shalt  }
0x5d: {  	_ =	shalt  }
0x5e: {  	_ =	shalt  }
0x5f: {  	_ =	shalt  }
0x60: {  	_ =	shalt  }
0x61: {  	_ =	shalt  }
0x62: {  	_ =	shalt  }
0x63: {  	_ =	shalt  }
0x64: {  	_ =	shalt  }
0x65: {  	_ =	shalt  }
0x66: {  	_ =	shalt  }
0x67: {  	_ =	shalt  }
0x68: {  	_ =	shalt  }
0x69: {  	_ =	shalt  }
0x6a: {  	_ =	shalt  }
0x6b: {  	_ =	shalt  }
0x6c: {  	_ =	shalt  }
0x6d: {  	_ =	shalt  }
0x6e: {  	_ =	shalt  }
0x6f: {  	_ =	shalt  }
0x70: {  	_ =	shalt  }
0x71: {  	_ =	shalt  }
0x72: {  	_ =	shalt  }
0x73: {  	_ =	shalt  }
0x74: {  	_ =	shalt  }
0x75: {  	_ =	shalt  }
0x76: {  	_ =	shalt  }
0x77: {  	_ =	shalt  }
0x78: {  	_ =	shalt  }
0x79: {  	_ =	shalt  }
0x7a: {  	_ =	shalt  }
0x7b: {  	_ =	shalt  }
0x7c: {  	_ =	shalt  }
0x7d: {  	_ =	shalt  }
0x7e: {  	_ =	shalt  }
0x7f: {  	_ =	shalt  }
0x80: {  	_ =	shalt  }
0x81: {  	_ =	shalt  }
0x82: {  	_ =	shalt  }
0x83: {  	_ =	shalt  }
0x84: {  	_ =	shalt  }
0x85: {  	_ =	shalt  }
0x86: {  	_ =	shalt  }
0x87: {  	_ =	shalt  }
.Lfunc_end0:
.L_simem_size_0:
called_computation.1_lowered:
.L_overlay_start_0:
0x88: {  	s2 =	sld [smem:$0x3FD9]  }
0x89: {  	s3 =	sld [smem:$0x3FFE];
	_ =	sdelay $0x1  }
0x8a: {  	s1 =	srdreg.scid  }
0x8b: {  	s0 =	sand.u32 $0x1, s1  }
0x8c: {  	s17 =	sshll.u32 s0, $0xA;
	s2 =	sadd.s32 s3, s2  }
0x8d: {  	s2 =	sadd.s32 s2, s17  }
0x8e: {  	[smem:$0x3FC2] =	sst s2  }
0x8f: {  	_ = 	snop  }
0x90: {  	s2 =	sld [smem:$0x3FD0];
	(tm) =	ssettm $0x1  }
0x91: {  	s18 =	sld [smem:$0x3FFB];
	_ =	sdelay $0x3  }
0x92: {  	_ =	strace s18  }
0x93: {  	s3 =	sld [smem:$0x3FFC];
	_ =	sdelay $0x3  }
0x94: {  	_ =	strace s3  }
0x95: {  	s3 =	sld [smem:$0x3FFD];
	_ =	sdelay $0x3  }
0x96: {  	_ =	strace s3  }
0x97: {  	_ =	strace $0x8FFFFFFF  }
0x98: {  	s19 =	sld [smem:$0x3FDB];
	_ =	sdelay $0x1  }
0x99: {  	s4 =	simm.s32 $_scs_section_size  }
0x9a: {  	s5 =	simm.s32 $_size__tile_overlayer_lowered;
	s6 =	simm.s32 $_tile_overlayer_lowered  }
0x9b: {  	s22 =	simm.s32 $0x1BFF;
	s21 =	sshll.u32 s6, $0x1;
	s3 =	sadd.s32 s4, s19  }
0x9c: {  	s7 =	simm.s32 $0x0;
	s20 =	sshll.u32 s5, $0x1;
	s5 =	sadd.s32 s21, s3  }
0x9d: {  	[timem:s7], [sflag:s22] =	dma.local [hbm:s5], s20  }
0x9e: {  	_ =	swait.ge [sflag:s22], s20  }
0x9f: {  	s4 =	ssub.s32 $0x0, s20;
	[sflag:s22] =	ssyncset.done $0x0  }
0xa0: {  	[sflag:s22] =	ssyncadd.s32 s4;
	_ =	sdelay $0x1  }
0xa1: {  	s23 =	simm.s32 $0x1B8B  }
0xa2: {  	_ =	swait.ge [sflag:s23], $0x1  }
0xa3: {  	[sflag:s23] =	ssyncset.done $0x0  }
0xa4: {  	s25 =	simm.s32 $0x1B8E;
	s24 =	sld [smem:$0x3FFE];
	[sflag:s23] =	ssyncadd.s32 $0xFFFFFFFF  }
0xa5: {  	s26 =	simm.s32 $execute0_lowered;
	[smem:$0x3FD2] =	sst s25  }
0xa6: {  	s5 =	sshll.u32 s26, $0x1;
	_ =	strace $0x80000049;
	[dreg:$0x1] =	wrdreg $0xFFFFFFFF  }
0xa7: {  	s28 =	simm.s32 $_size_execute0_lowered;
	s3 =	sadd.s32 s3, s5;
	[dreg:$0x0] =	wrdreg $0x0  }
0xa8: {  	s5 =	sshll.u32 s28, $0x1;
	[dreg:$0x2] =	wrdreg s3  }
0xa9: {  	[dreg:$0x3] =	wrdreg s5  }
0xaa: {  	[dreg:$0x4] =	wrdreg $0xC0  }
0xab: {  	_ =	task [dreg:s7], $0x5FFFF  }
0xac: {  	[dreg:$0x1] =	wrdreg $0xFFFFFFFF  }
0xad: {  	[dreg:$0x0] =	wrdreg $0x60  }
0xae: {  	[dreg:$0x2] =	wrdreg s24  }
0xaf: {  	[dreg:$0x3] =	wrdreg s2  }
0xb0: {  	[dreg:$0x4] =	wrdreg $0xBC000  }
0xb1: {  	[dreg:$0x5] =	wrdreg $0x9  }
0xb2: {  	_ =	task.clear_ibuf [dreg:s7], $0x6FFFF;
	_ =	strace $0x90000049  }
0xb3: {  	s29 =	simm.s32 $0x9;
	_ =	strace $0x8000004B  }
0xb4: {  	_ =	swait.ge [sflag:s29], $0x1  }
0xb5: {  	[sflag:s29] =	ssyncadd.s32 $0xFFFFFFFF  }
0xb6: {  	_ =	strace $0x9000004B  }
0xb7: {  	_ =	sfence  }
0xb8: {  	s30 =	sld [smem:$0x0];
	_ =	sdelay $0x2  }
0xb9: {  	s31 =	sshll.u32 s1, $0xD;
	s1 =	sshrl.u32 s1, $0x2  }
0xba: {  	s3 =	sand.u32 $0x4000, s31;
	s1 =	sadd.s32 s1, s30  }
0xbb: {  	s0 =	sor.u32 s3, s0;
	s1 =	sshll.u32 s1, $0x11  }
0xbc: {  	s0 =	sor.u32 s1, s0  }
0xbd: {  	s0 =	sadd.s32 $0x8F2B, s0  }
0xbe: {  	[sflag:s0] =	ssyncadd.remote.s32 $0x1  }
0xbf: {  	_ =	sfence.sel $0xFFFF  }
0xc0: {  	[dreg:$0x0] =	wrdreg $0xFFFFFFFF;
	(pc) =	sbr.abs _section_cstart, $3  }
0xc1: {  	[dreg:$0x1] =	wrdreg $0xFFFFFFFF  }
0xc2: {  	_ =	task.clear_ibuf [dreg:s7], $0x2FFFF;
	_ =	strace $0x9FFFFFFF  }
0xc3: {  	(tm) =	ssettm $0x7FFFFFFF  }
tec
execute0_lowered:
.L_overlay_start_1:
0x0: {  	(tag) =	ssettag $0x1  }
0x1: {  	s6 =	rddreg [dreg:$0x0]  }
0x2: {  	s2 =	rddreg [dreg:$0x1]  }
0x3: {  	s1 =	srdreg.scid;
	s0 =	stileid.u32  }
0x4: {  	s3 =	rddreg [dreg:$0x2];
	s4 =	simm.s32 $0x0;
	s12 =	simm.s32 $0x2800  }
0x5: {  	s13 =	simm.s32 $0x7D;
	s14 =	simm.s32 $0x3C00;
	s15 =	simm.s32 $0x80  }
0x6: {  	s16 =	simm.s32 $0x7C00;
	s17 =	simm.s32 $0x1;
	s18 =	simm.s32 $0x2  }
0x7: {  	s19 =	simm.s32 $0x3B00;
	s5 =	sand.u32 $0x1, s1;
	s7 =	sshll.u32 s0, $0x1  }
0x8: {  	s20 =	simm.s32 $0x3B80;
	s1 =	rddreg [dreg:$0x3];
	s7 =	sor.u32 s5, s7  }
0x9: {  	s21 =	simm.s32 $0x0;
	[smem:$0x7FF] =	sst s4;
	s7 =	smul.u32 $0x2800, s7  }
0xa: {  	_ =	strace $0x8000004A;
	s8 =	smul.u32 $0x27100, s5;
	s9 =	ssub.s32 $0x2, s5  }
0xb: {  	s5 =	sadd.s32 $0xC000, s6;
	s31 =	sshrl.u32 s9, $0x1;
	s7 =	sshrl.u32 s7, $0x3  }
0xc: {  	s11 =	sadd.s32 s8, s6;
	s9 =	ssub.s32 s9, s31;
	s10 =	sadd.s32 s7, s6  }
0xd: {  	s9 =	smax.u32 s9, $0x1;
	s6 =	sadd.s32 $0x5AA00, s10;
	s7 =	sadd.s32 $0x2000, s10  }
0xe: {  	s8 =	sadd.s32 $0x2280, s10;
	s10 =	sadd.s32 $0x64A00, s11;
	s11 =	simm.s32 $0x3  }
.LBB2_1:
0xf: {  	s22 =	sand.u32 $0xF, s4  }
0x10: {  	p0 =	sne.s32 s22, s0  }
0x11: {  	s24 =	simm.s32 $0x1;
	s22 =	sshll.u32 @!p0 s0, $0x6  }
0x12: {  	s23 =	sshrl.u32 @!p0 s3, $0x3;
	s25 =	simm.s32 @!p0 $0x3;
	s22 =	sor.u32 @!p0 $0x1C03, s22  }
0x13: {  	[spmem:s23], [sflag:s22] =	dma.local @!p0 [hbm:s2], $0x1900  }
0x14: {  	s26 =	sand.u32 $0xF, s24;
	s24 =	sadd.s32 $0xC800, s3;
	_ =	swait.ge @!p0 [sflag:s25], $0x1900  }
0x15: {  	s23 =	simm.s32 $0x2;
	s22 =	sadd.s32 $0x1900, s2;
	[sflag:s25] =	ssyncset.done @!p0 $0x0  }
.LBB2_2:
0x16: {  	[sflag:s25] =	ssyncadd.s32 @!p0 $0xFFFFE700  }
0x17: {  	p0 =	sne.s32 s26, s0;
	s26 =	smov.u32 s23;
	s23 =	sadd.s32 $0x1, s23  }
0x18: {  	p1 =	sne.s32 s23, $0x19  }
.Ltmp0:
0x19: {  	s25 =	sshll.u32 @!p0 s0, $0x6;
	s28 =	sshrl.u32 @!p0 s24, $0x3;
	(pc) =	sbr.rel @p1 .LBB2_2-.Ltmp0, $4  }
0x1a: {  	s29 =	sor.u32 @!p0 $0x1C03, s25;
	s25 =	simm.s32 @!p0 $0x3  }
0x1b: {  	[spmem:s28], [sflag:s29] =	dma.local @!p0 [hbm:s22], $0x1900  }
0x1c: {  	s22 =	sadd.s32 $0x1900, s22;
	_ =	swait.ge @!p0 [sflag:s25], $0x1900  }
0x1d: {  	s26 =	sand.u32 $0xF, s26;
	s24 =	sadd.s32 $0xC800, s24;
	[sflag:s25] =	ssyncset.done @!p0 $0x0  }
0x1e: {  	p1 =	sne.s32 s26, s0  }
0x1f: {  	[sflag:s25] =	ssyncadd.s32 @!p0 $0xFFFFE700;
	s23 =	sshll.u32 @!p1 s0, $0x6  }
0x20: {  	s24 =	sshrl.u32 @!p1 s24, $0x3;
	s25 =	simm.s32 @!p1 $0x3;
	s23 =	sor.u32 @!p1 $0x1C03, s23  }
0x21: {  	[spmem:s24], [sflag:s23] =	dma.local @!p1 [hbm:s22], $0x1900  }
0x22: {  	_ =	swait.ge @!p1 [sflag:s25], $0x1900  }
0x23: {  	[sflag:s25] =	ssyncset.done @!p1 $0x0  }
0x24: {  	s22 =	simm.s32 $0x0;
	[sflag:s25] =	ssyncadd.s32 @!p1 $0xFFFFE700  }
0x25: {  	[tilespmem:s22], [sflag:$0x3] =	stream.linear.gather [hbm4b:s6+s22], $0x2800, $0x38;
	[tilespmem:$0x1F480] =	vst v63  }
0x26: {  	_ =	swait.ge [sflag:s11], $0x2800  }
0x27: {  	[sflag:s11] =	ssyncset.done $0x0  }
0x28: {  	[sflag:s11] =	ssyncadd.s32 $0xFFFFD800  }
0x29: {  	[tilespmem:s12], [sflag:$0x3] =	stream.linear.gather [hbm4b:s7+s22], $0x1400, $0x38;
	[tilespmem:$0x1F480] =	vst v63  }
0x2a: {  	_ =	swait.ge [sflag:s11], $0x1400  }
0x2b: {  	[sflag:s11] =	ssyncset.done $0x0  }
0x2c: {  	[sflag:s11] =	ssyncadd.s32 $0xFFFFEC00  }
0x2d: {  	p5 =	por $0x1, $0x1;
	[bflag:$0x0] =	sbarrier.arrive $0xFFFF  }
0x2e: {  	[tilespmem:s14], [sflag:$0x1] =	stream.indirect.gather [hbm4b:s5+s13], $0x80, s22, s13, $0xb8;
	[tilespmem:$0x1F480] =	vst v63  }
0x2f: {  	p0 =	por p5, p5  }
0x30: {  	[tilespmem:s16], [sflag:$0x2] =	stream.indirect.gather [hbm4b:s5+s13], $0x80, s15, s13, $0xb8;
	[tilespmem:$0x1F480] =	vst v63  }
0x31: {  	s23 =	simm.s32 @!p0 $0x0;
	s24 =	simm.s32 @!p0 $0x2800;
	s25 =	simm.s32 @!p0 $0x3  }
0x32: {  	[tilespmem:s24], [sflag:$0x3] =	stream.linear.gather @!p0 [hbm4b:s8+s23], $0x1400, $0x38;
	[tilespmem:$0x1F480] =	vst v63  }
0x33: {  	_ =	swait.ge @!p0 [sflag:s25], $0x1400  }
0x34: {  	[sflag:s25] =	ssyncset.done @!p0 $0x0  }
0x35: {  	s23 =	simm.s32 $0xFFFFB000;
	[sflag:s25] =	ssyncadd.s32 @!p0 $0xFFFFEC00;
	p0 =	por $0x1, $0x1  }
0x36: {  	_ =	swait.ge [sflag:s17], $0x3E80;
	s23 =	smov.u32 @p0 s22  }
0x37: {  	[sflag:s17] =	ssyncset.done $0x0;
	s22 =	sshra.s32 s23, $0x2  }
0x38: {  	[sflag:s17] =	ssyncadd.s32 $0xFFFFC180;
	s22 =	sadd.s32 $0x2800, s22  }
0x39: {  	[spmem:s3] =	stream.indirect.scatter.add.f32 [tilespmem:s14], [sflag:$0x3], $0x80, s22, s13, $0xb8;
	[tilespmem:$0x1F480] =	vst v63  }
0x3a: {  	_ =	swait.ge [sflag:s11], $0x3E80  }
0x3b: {  	s23 =	simm.s32 $0xFFFFFFD9;
	s22 =	simm.s32 $0x1;
	[sflag:s11] =	ssyncset.done $0x0  }
0x3c: {  	s30 =	simm.s32 $0x100;
	s23 =	smov.u32 @p0 s22;
	[sflag:s11] =	ssyncadd.s32 $0xFFFFC180  }
0x3d: {  	[tilespmem:s14], [sflag:$0x1] =	stream.indirect.gather [hbm4b:s5+s13], $0x80, s30, s13, $0xb8;
	[tilespmem:$0x1F480] =	vst v63  }
0x3e: {  	s31 =	sshll.u32 s23, $0x7;
	_ =	swait.ge [sflag:s18], $0x3E80  }
0x3f: {  	s23 =	sand.u32 $0x3FFFFF80, s31;
	[sflag:s18] =	ssyncset.done $0x0  }
0x40: {  	p6 =	por $0x1, $0x1;
	s23 =	sadd.s32 $0x2800, s23;
	[sflag:s18] =	ssyncadd.s32 $0xFFFFC180  }
0x41: {  	[spmem:s3] =	stream.indirect.scatter.add.f32 [tilespmem:s16], [sflag:$0x3], $0x80, s23, s13, $0xb8;
	[tilespmem:$0x1F480] =	vst v63  }
0x42: {  	s26 =	simm.s32 $0x180;
	s24 =	simm.s32 $0x1;
	_ =	swait.ge [sflag:s11], $0x3E80  }
0x43: {  	s25 =	simm.s32 $0x800;
	s22 =	simm.s32 $0x400;
	[sflag:s11] =	ssyncset.done $0x0  }
0x44: {  	p0 =	por p6, p6;
	s23 =	simm.s32 $0x3;
	[sflag:s11] =	ssyncadd.s32 $0xFFFFC180  }
.LBB2_4:
0x45: {  	[tilespmem:s16], [sflag:$0x2] =	stream.indirect.gather [hbm4b:s5+s13], $0x80, s26, s13, $0xb8;
	[tilespmem:$0x1F480] =	vst v63  }
0x46: {  	s26 =	smov.u32 s25  }
0x47: {  	s28 =	simm.s32 @!p0 $0x0;
	s29 =	simm.s32 @!p0 $0x2800;
	s30 =	simm.s32 @!p0 $0x3  }
0x48: {  	[tilespmem:s29], [sflag:$0x3] =	stream.linear.gather @!p0 [hbm4b:s8+s28], $0x1400, $0x38;
	[tilespmem:$0x1F480] =	vst v63  }
0x49: {  	s25 =	sadd.s32 $0x400, s25;
	p2 =	sne.s32 s26, $0x5000;
	_ =	swait.ge @!p0 [sflag:s30], $0x1400  }
0x4a: {  	p1 =	sne.s32 s25, $0x9C00;
	s28 =	sadd.s32 $0xFFFFFFD8, s23;
	[sflag:s30] =	ssyncset.done @!p0 $0x0  }
0x4b: {  	s29 =	sadd.s32 $0xFFFFB000, s22;
	[sflag:s30] =	ssyncadd.s32 @!p0 $0xFFFFEC00;
	p0 =	slt.u32 s24, $0x14  }
0x4c: {  	_ =	swait.ge [sflag:s17], $0x3E80;
	s29 =	smov.u32 @p0 s22;
	s28 =	smov.u32 @p0 s23  }
0x4d: {  	[sflag:s17] =	ssyncset.done $0x0;
	s29 =	sshra.s32 s29, $0x2;
	s28 =	sshll.u32 s28, $0x7  }
0x4e: {  	[sflag:s17] =	ssyncadd.s32 $0xFFFFC180;
	s29 =	sadd.s32 $0x2800, s29;
	s28 =	sand.u32 $0x3FFFFF80, s28  }
0x4f: {  	[spmem:s3] =	stream.indirect.scatter.add.f32 [tilespmem:s14], [sflag:$0x3], $0x80, s29, s13, $0xb8;
	[tilespmem:$0x1F480] =	vst v63  }
0x50: {  	p0 =	por p2, p2;
	_ =	swait.ge [sflag:s11], $0x3E80  }
0x51: {  	s29 =	sshra.s32 s22, $0x2;
	s22 =	smov.u32 s26;
	[sflag:s11] =	ssyncset.done $0x0  }
0x52: {  	s26 =	sadd.s32 $0x100, s29;
	[sflag:s11] =	ssyncadd.s32 $0xFFFFC180  }
0x53: {  	[tilespmem:s14], [sflag:$0x1] =	stream.indirect.gather [hbm4b:s5+s13], $0x80, s26, s13, $0xb8;
	[tilespmem:$0x1F480] =	vst v63  }
0x54: {  	_ =	swait.ge [sflag:s18], $0x3E80  }
0x55: {  	[sflag:s18] =	ssyncset.done $0x0  }
.Ltmp1:
0x56: {  	s26 =	sadd.s32 $0x2800, s28;
	[sflag:s18] =	ssyncadd.s32 $0xFFFFC180;
	(pc) =	sbr.rel @p1 .LBB2_4-.Ltmp1, $4  }
0x57: {  	[spmem:s3] =	stream.indirect.scatter.add.f32 [tilespmem:s16], [sflag:$0x3], $0x80, s26, s13, $0xb8;
	[tilespmem:$0x1F480] =	vst v63  }
0x58: {  	_ =	swait.ge [sflag:s11], $0x3E80  }
0x59: {  	s23 =	sadd.s32 $0x2, s23;
	[sflag:s11] =	ssyncset.done $0x0  }
0x5a: {  	s24 =	sadd.s32 $0x1, s24;
	s26 =	sadd.s32 $0x180, s29;
	[sflag:s11] =	ssyncadd.s32 $0xFFFFC180  }
0x5b: {  	[tilespmem:s16], [sflag:$0x2] =	stream.indirect.gather [hbm4b:s5+s13], $0x80, s26, s13, $0xb8;
	[tilespmem:$0x1F480] =	vst v63  }
0x5c: {  	s25 =	simm.s32 @!p0 $0x0;
	s26 =	simm.s32 @!p0 $0x2800;
	s28 =	simm.s32 @!p0 $0x3  }
0x5d: {  	[tilespmem:s26], [sflag:$0x3] =	stream.linear.gather @!p0 [hbm4b:s8+s25], $0x1400, $0x38;
	[tilespmem:$0x1F480] =	vst v63  }
0x5e: {  	_ =	swait.ge @!p0 [sflag:s28], $0x1400  }
0x5f: {  	[sflag:s28] =	ssyncset.done @!p0 $0x0  }
0x60: {  	[sflag:s28] =	ssyncadd.s32 @!p0 $0xFFFFEC00;
	p0 =	slt.u32 s24, $0x14;
	s24 =	sadd.s32 $0xFFFFB000, s22  }
0x61: {  	_ =	swait.ge [sflag:s17], $0x3E80;
	s24 =	smov.u32 @p0 s22  }
0x62: {  	[sflag:s17] =	ssyncset.done $0x0;
	s24 =	sshra.s32 s24, $0x2  }
0x63: {  	[sflag:s17] =	ssyncadd.s32 $0xFFFFC180;
	s24 =	sadd.s32 $0x2800, s24  }
0x64: {  	[spmem:s3] =	stream.indirect.scatter.add.f32 [tilespmem:s14], [sflag:$0x3], $0x80, s24, s13, $0xb8;
	[tilespmem:$0x1F480] =	vst v63  }
0x65: {  	_ =	swait.ge [sflag:s11], $0x3E80  }
0x66: {  	s26 =	sshra.s32 s22, $0x2;
	s24 =	sadd.s32 $0xFFFFFFD8, s23;
	[sflag:s11] =	ssyncset.done $0x0  }
0x67: {  	s28 =	sadd.s32 $0x100, s26;
	s24 =	smov.u32 @p0 s23;
	[sflag:s11] =	ssyncadd.s32 $0xFFFFC180  }
0x68: {  	[tilespmem:s14], [sflag:$0x1] =	stream.indirect.gather [hbm4b:s5+s13], $0x80, s28, s13, $0xb8;
	[tilespmem:$0x1F480] =	vst v63  }
0x69: {  	s29 =	sshll.u32 s24, $0x7;
	_ =	swait.ge [sflag:s18], $0x3E80  }
0x6a: {  	s23 =	sand.u32 $0x3FFFFF80, s29;
	[sflag:s18] =	ssyncset.done $0x0  }
0x6b: {  	s23 =	sadd.s32 $0x2800, s23;
	[sflag:s18] =	ssyncadd.s32 $0xFFFFC180  }
0x6c: {  	[spmem:s3] =	stream.indirect.scatter.add.f32 [tilespmem:s16], [sflag:$0x3], $0x80, s23, s13, $0xb8;
	[tilespmem:$0x1F480] =	vst v63  }
0x6d: {  	_ =	swait.ge [sflag:s11], $0x3E80  }
0x6e: {  	[sflag:s11] =	ssyncset.done $0x0  }
0x6f: {  	s22 =	sadd.s32 $0x180, s26;
	[sflag:s11] =	ssyncadd.s32 $0xFFFFC180  }
0x70: {  	[tilespmem:s16], [sflag:$0x2] =	stream.indirect.gather [hbm4b:s5+s13], $0x80, s22, s13, $0xb8;
	[tilespmem:$0x1F480] =	vst v63  }
0x71: {  	_ =	swait.ge [sflag:s17], $0x3E80  }
0x72: {  	[sflag:s17] =	ssyncset.done $0x0  }
0x73: {  	[sflag:s17] =	ssyncadd.s32 $0xFFFFC180  }
0x74: {  	[spmem:s3] =	stream.indirect.scatter.add.f32 [tilespmem:s14], [sflag:$0x3], $0x80, s19, s13, $0xb8;
	[tilespmem:$0x1F480] =	vst v63  }
0x75: {  	_ =	swait.ge [sflag:s11], $0x3E80  }
0x76: {  	[sflag:s11] =	ssyncset.done $0x0  }
0x77: {  	[sflag:s11] =	ssyncadd.s32 $0xFFFFC180  }
0x78: {  	_ =	swait.ge [sflag:s18], $0x3E80  }
0x79: {  	[sflag:s18] =	ssyncset.done $0x0  }
0x7a: {  	s30 =	simm.s32 $0x0;
	[sflag:s18] =	ssyncadd.s32 $0xFFFFC180  }
0x7b: {  	[spmem:s3] =	stream.indirect.scatter.add.f32 [tilespmem:s16], [sflag:$0x3], $0x80, s20, s13, $0xb8;
	[tilespmem:$0x1F480] =	vst v63  }
0x7c: {  	s22 =	sand.u32 $0xF, s30;
	_ =	swait.ge [sflag:s11], $0x3E80  }
0x7d: {  	s31 =	simm.s32 $0x1;
	p0 =	sne.s32 s22, s0;
	[sflag:s11] =	ssyncset.done $0x0  }
0x7e: {  	s22 =	sshll.u32 @!p0 s0, $0x6;
	s23 =	sshrl.u32 @!p0 s3, $0x3;
	[sflag:s11] =	ssyncadd.s32 $0xFFFFC180  }
0x7f: {  	s25 =	simm.s32 @!p0 $0x3;
	s22 =	sor.u32 @!p0 $0x1C03, s22;
	[bflag:$0x0] =	sbarrier.arrive $0xFFFF  }
0x80: {  	[hbm:s10], [sflag:s22] =	dma.local @!p0 [spmem:s23], $0x1900  }
0x81: {  	s26 =	sand.u32 $0xF, s31;
	s24 =	sadd.s32 $0xC800, s3;
	_ =	swait.ge @!p0 [sflag:s25], $0x1900  }
0x82: {  	s23 =	simm.s32 $0x2;
	s22 =	sadd.s32 $0x1900, s10;
	[sflag:s25] =	ssyncset.done @!p0 $0x0  }
.LBB2_6:
0x83: {  	[sflag:s25] =	ssyncadd.s32 @!p0 $0xFFFFE700  }
0x84: {  	p0 =	sne.s32 s26, s0;
	s26 =	smov.u32 s23;
	s23 =	sadd.s32 $0x1, s23  }
0x85: {  	p1 =	sne.s32 s23, $0x19  }
.Ltmp2:
0x86: {  	s25 =	sshll.u32 @!p0 s0, $0x6;
	s28 =	sshrl.u32 @!p0 s24, $0x3;
	(pc) =	sbr.rel @p1 .LBB2_6-.Ltmp2, $4  }
0x87: {  	s29 =	sor.u32 @!p0 $0x1C03, s25;
	s25 =	simm.s32 @!p0 $0x3  }
0x88: {  	[hbm:s22], [sflag:s29] =	dma.local @!p0 [spmem:s28], $0x1900  }
0x89: {  	s22 =	sadd.s32 $0x1900, s22;
	_ =	swait.ge @!p0 [sflag:s25], $0x1900  }
0x8a: {  	s26 =	sand.u32 $0xF, s26;
	s24 =	sadd.s32 $0xC800, s24;
	[sflag:s25] =	ssyncset.done @!p0 $0x0  }
0x8b: {  	p1 =	sne.s32 s26, s0;
	[sflag:s25] =	ssyncadd.s32 @!p0 $0xFFFFE700;
	s21 =	sadd.s32 $0x1, s21  }
0x8c: {  	s23 =	sshll.u32 @!p1 s0, $0x6;
	s24 =	sshrl.u32 @!p1 s24, $0x3;
	p0 =	sne.s32 s21, s9  }
.Ltmp3:
0x8d: {  	s25 =	simm.s32 @!p1 $0x3;
	s23 =	sor.u32 @!p1 $0x1C03, s23;
	(pc) =	sbr.rel @p0 .LBB2_1-.Ltmp3, $4  }
0x8e: {  	[hbm:s22], [sflag:s23] =	dma.local @!p1 [spmem:s24], $0x1900  }
0x8f: {  	_ =	swait.ge @!p1 [sflag:s25], $0x1900  }
0x90: {  	[sflag:s25] =	ssyncset.done @!p1 $0x0  }
0x91: {  	[sflag:s25] =	ssyncadd.s32 @!p1 $0xFFFFE700  }
0x92: {  	_ =	sfence.sel $0x180000  }
0x93: {  	[bflag:$0x0] =	sbarrier.arrive $0xFFFF  }
0x94: {  	p0 =	sne.s32 s0, $0x0;
	_ =	strace $0x9000004A  }
0x95: {  	s0 =	sadd.s32 @!p0 $0x100000, s1;
	[bflag:$0x2] =	sbarrier.arrive $0xFFFF  }
0x96: {  	[sflag:s0] =	ssyncadd.tile.s32 @!p0 $0x1;
	_ =	shalt  }
.Lfunc_end2:
_tile_overlayer_lowered:
.L_overlay_start_2:
0x97: {  	(tag) =	ssettag $0x2  }
0x98: {  	s0 =	rddreg [dreg:$0x0];
	s2 =	stileid.u32  }
0x99: {  	s1 =	rddreg [dreg:$0x1];
	p0 =	sne.s32 s2, $0x0  }
0x9a: {  	s3 =	rddreg [dreg:$0x2];
	[bflag:$0x3] =	sbarrier.arrive $0xFFFF;
	s2 =	simm.s32 @!p0 $0x1C03  }
0x9b: {  	[timem:s3], [sflag:s2] =	dma.local @!p0 [hbm:s0], s1  }
0x9c: {  	s0 =	simm.s32 @!p0 $0x3  }
0x9d: {  	_ =	swait.ge @!p0 [sflag:s0], s1  }
0x9e: {  	s1 =	ssub.s32 @!p0 $0x0, s1;
	[sflag:s0] =	ssyncset.done @!p0 $0x0  }
0x9f: {  	[sflag:s0] =	ssyncadd.s32 @!p0 s1  }
0xa0: {  	[bflag:$0x3] =	sbarrier.arrive $0xFFFF  }
0xa1: {  	_ =	shalt  }

// kernel: kernel.15.cloned.1.call-start
scs
__scs_entry_jumppad:
0x0: {  	(pc) =	sbr.rel $0x88, $3  }
0x1: {  	(tag) =	ssettag $0x0;
	lr =	simm.s32 $0x1  }
0x2: {  	[smem:$0x3F9B] =	sst lr;
	_ =	strace $0xD0000000  }
0x3: {  	_ = 	snop  }
0x4: {  	_ = 	snop  }
0x5: {  	_ = 	snop  }
0x6: {  	_ = 	snop  }
0x7: {  	_ = 	snop  }
__scs_overlays_trampoline_lowered:
0x8: {  	[smem:$0x3FAA] =	sst s0  }
0x9: {  	[smem:$0x3FAB] =	sst s1  }
0xa: {  	[smem:$0x3FAC] =	sst s2  }
0xb: {  	[smem:$0x3FAD] =	sst s3  }
0xc: {  	[smem:$0x3FAE] =	sst s4  }
0xd: {  	[smem:$0x3FAF] =	sst s5  }
0xe: {  	[smem:$0x3FB0] =	sst s6  }
0xf: {  	[smem:$0x3FB1] =	sst s7  }
0x10: {  	[smem:$0x3FB2] =	sst s8  }
0x11: {  	[smem:$0x3FB3] =	sst s9;
	s0 =	simm.s32 @!p0 $0x0  }
0x12: {  	s1 =	sld [smem:$0x3F99];
	s0 =	simm.s32 @p0 $0x1  }
0x13: {  	[smem:$0x3FB4] =	sst s0;
	s0 =	simm.s32 @!p1 $0x0  }
0x14: {  	s2 =	sld [smem:$0x3F98];
	s0 =	simm.s32 @p1 $0x1  }
0x15: {  	[smem:$0x3FB5] =	sst s0;
	s0 =	simm.s32 @!p2 $0x0  }
0x16: {  	s3 =	sld [smem:$0x3FDB];
	s0 =	simm.s32 @p2 $0x1  }
0x17: {  	s4 =	simm.s32 $0x1BF5;
	[smem:$0x3FB7] =	sst s0  }
0x18: {  	s0 =	sld [smem:$0x3F9A];
	_ =	swait.ge [sflag:s4], $0x0  }
0x19: {  	s7 =	sld [smem:$0x3F9B]  }
0x1a: {  	s8 =	sadd.s32 $0xFFFFE003, lr  }
0x1b: {  	s9 =	sadd.s32 $0xFFFFFEF7, lr;
	s5 =	simm.s32 $0xFFFFFFFF;
	p2 =	slt.u32 s8, $0xFFFFF086  }
0x1c: {  	p1 =	slt.u32 s9, $0xF7A;
	s5 =	simm.s32 @!p2 $0x0  }
0x1d: {  	s5 =	simm.s32 @p1 $0x1;
	p0 =	seq.s32 s7, s2  }
0x1e: {  	s7 =	smul.u32 @!p0 $0xF7A, s2;
	p2 =	seq.s32 @!p0 s5, $0x0  }
0x1f: {  	s9 =	smul.u32 $0xF7A, s1;
	s8 =	simm.s32 @!p0 $0x1BF5;
	p2 =	por !p2, p0  }
0x20: {  	[sflag:s8] =	ssyncset.s32 @!p0 $0xFFFFF086;
	s6 =	sadd.s32 @!p0 s3, s7;
	s7 =	simm.s32 @!p0 $0x108  }
0x21: {  	s3 =	sadd.s32 s3, s9;
	s6 =	sadd.s32 @!p0 $0x88, s6;
	s7 =	simm.s32 @p2 $0x1082  }
0x22: {  	[simem:s7], [sflag:s8] =	dma.local @!p0 [hbm:s6], $0xF7A  }
0x23: {  	s9 =	sor.u32 $0xD0000000, s2;
	s6 =	simm.s32 $0x108;
	_ =	swait.ge @!p0 [sflag:s8], $0x0  }
0x24: {  	s3 =	sadd.s32 $0x88, s3;
	s6 =	simm.s32 @!p1 $0x1082;
	[sflag:s4] =	ssyncset.s32 $0xFFFFF086  }
0x25: {  	[simem:s6], [sflag:s4] =	dma.local [hbm:s3], $0xF7A  }
0x26: {  	[smem:$0x3F9B] =	sst s1;
	(tag) =	ssettag s2;
	_ =	strace s9  }
0x27: {  	s1 =	sld [smem:$0x3FAB]  }
0x28: {  	s2 =	sld [smem:$0x3FAC]  }
0x29: {  	s4 =	sld [smem:$0x3FAE]  }
0x2a: {  	p0 =	seq.s32 s5, $0x0;
	s5 =	sld [smem:$0x3FAF]  }
0x2b: {  	s6 =	sld [smem:$0x3FB0]  }
0x2c: {  	s7 =	sld [smem:$0x3FB1]  }
0x2d: {  	s3 =	simm.s32 $0x108;
	s8 =	sld [smem:$0x3FB2]  }
0x2e: {  	s3 =	simm.s32 @!p0 $0x1082;
	s9 =	sld [smem:$0x3FB3]  }
0x2f: {  	lr =	sadd.s32 s0, s3;
	s0 =	sld [smem:$0x3FAA]  }
0x30: {  	s3 =	sld [smem:$0x3FAD]  }
0x31: {  	[smem:$0x3FB6] =	sst s10  }
0x32: {  	s10 =	sld [smem:$0x3FB4];
	_ =	sdelay $0x3  }
0x33: {  	p0 =	seq.s32 s10, $0x1;
	s10 =	sld [smem:$0x3FB6];
	_ =	sdelay $0x3  }
0x34: {  	[smem:$0x3FB6] =	sst s10  }
0x35: {  	s10 =	sld [smem:$0x3FB5];
	_ =	sdelay $0x3  }
0x36: {  	p1 =	seq.s32 s10, $0x1;
	s10 =	sld [smem:$0x3FB6];
	_ =	sdelay $0x3  }
0x37: {  	[smem:$0x3FB6] =	sst s10  }
0x38: {  	s10 =	sld [smem:$0x3FB7]  }
0x39: {  	_ = 	snop;
	(pc) =	sbr.ind lr, $3  }
0x3a: {  	_ = 	snop  }
0x3b: {  	_ = 	snop  }
0x3c: {  	p2 =	seq.s32 s10, $0x1;
	s10 =	sld [smem:$0x3FB6]  }
0x3d: {  	_ =	shalt  }
0x3e: {  	_ =	shalt  }
0x3f: {  	_ =	shalt  }
0x40: {  	_ =	shalt  }
0x41: {  	_ =	shalt  }
0x42: {  	_ =	shalt  }
0x43: {  	_ =	shalt  }
0x44: {  	_ =	shalt  }
0x45: {  	_ =	shalt  }
0x46: {  	_ =	shalt  }
0x47: {  	_ =	shalt  }
0x48: {  	_ =	shalt  }
0x49: {  	_ =	shalt  }
0x4a: {  	_ =	shalt  }
0x4b: {  	_ =	shalt  }
0x4c: {  	_ =	shalt  }
0x4d: {  	_ =	shalt  }
0x4e: {  	_ =	shalt  }
0x4f: {  	_ =	shalt  }
0x50: {  	_ =	shalt  }
0x51: {  	_ =	shalt  }
0x52: {  	_ =	shalt  }
0x53: {  	_ =	shalt  }
0x54: {  	_ =	shalt  }
0x55: {  	_ =	shalt  }
0x56: {  	_ =	shalt  }
0x57: {  	_ =	shalt  }
0x58: {  	_ =	shalt  }
0x59: {  	_ =	shalt  }
0x5a: {  	_ =	shalt  }
0x5b: {  	_ =	shalt  }
0x5c: {  	_ =	shalt  }
0x5d: {  	_ =	shalt  }
0x5e: {  	_ =	shalt  }
0x5f: {  	_ =	shalt  }
0x60: {  	_ =	shalt  }
0x61: {  	_ =	shalt  }
0x62: {  	_ =	shalt  }
0x63: {  	_ =	shalt  }
0x64: {  	_ =	shalt  }
0x65: {  	_ =	shalt  }
0x66: {  	_ =	shalt  }
0x67: {  	_ =	shalt  }
0x68: {  	_ =	shalt  }
0x69: {  	_ =	shalt  }
0x6a: {  	_ =	shalt  }
0x6b: {  	_ =	shalt  }
0x6c: {  	_ =	shalt  }
0x6d: {  	_ =	shalt  }
0x6e: {  	_ =	shalt  }
0x6f: {  	_ =	shalt  }
0x70: {  	_ =	shalt  }
0x71: {  	_ =	shalt  }
0x72: {  	_ =	shalt  }
0x73: {  	_ =	shalt  }
0x74: {  	_ =	shalt  }
0x75: {  	_ =	shalt  }
0x76: {  	_ =	shalt  }
0x77: {  	_ =	shalt  }
0x78: {  	_ =	shalt  }
0x79: {  	_ =	shalt  }
0x7a: {  	_ =	shalt  }
0x7b: {  	_ =	shalt  }
0x7c: {  	_ =	shalt  }
0x7d: {  	_ =	shalt  }
0x7e: {  	_ =	shalt  }
0x7f: {  	_ =	shalt  }
0x80: {  	_ =	shalt  }
0x81: {  	_ =	shalt  }
0x82: {  	_ =	shalt  }
0x83: {  	_ =	shalt  }
0x84: {  	_ =	shalt  }
0x85: {  	_ =	shalt  }
0x86: {  	_ =	shalt  }
0x87: {  	_ =	shalt  }
.Lfunc_end0:
.L_simem_size_0:
called_computation.2_lowered:
.L_overlay_start_0:
0x88: {  	s2 =	sld [smem:$0x3FD9]  }
0x89: {  	s3 =	sld [smem:$0x3FFE];
	_ =	sdelay $0x1  }
0x8a: {  	s1 =	srdreg.scid  }
0x8b: {  	s0 =	sand.u32 $0x1, s1  }
0x8c: {  	s17 =	sshll.u32 s0, $0xA;
	s2 =	sadd.s32 s3, s2  }
0x8d: {  	s2 =	sadd.s32 s2, s17  }
0x8e: {  	[smem:$0x3FC2] =	sst s2  }
0x8f: {  	_ = 	snop  }
0x90: {  	s2 =	sld [smem:$0x3FD0];
	(tm) =	ssettm $0x1  }
0x91: {  	s18 =	sld [smem:$0x3FFB];
	_ =	sdelay $0x3  }
0x92: {  	_ =	strace s18  }
0x93: {  	s3 =	sld [smem:$0x3FFC];
	_ =	sdelay $0x3  }
0x94: {  	_ =	strace s3  }
0x95: {  	s3 =	sld [smem:$0x3FFD];
	_ =	sdelay $0x3  }
0x96: {  	_ =	strace s3  }
0x97: {  	_ =	strace $0x8FFFFFFF  }
0x98: {  	s19 =	sld [smem:$0x3FDB];
	_ =	sdelay $0x1  }
0x99: {  	s4 =	simm.s32 $_scs_section_size  }
0x9a: {  	s5 =	simm.s32 $_size__tile_overlayer_lowered;
	s6 =	simm.s32 $_tile_overlayer_lowered  }
0x9b: {  	s22 =	simm.s32 $0x1BFF;
	s21 =	sshll.u32 s6, $0x1;
	s3 =	sadd.s32 s4, s19  }
0x9c: {  	s7 =	simm.s32 $0x0;
	s20 =	sshll.u32 s5, $0x1;
	s5 =	sadd.s32 s21, s3  }
0x9d: {  	[timem:s7], [sflag:s22] =	dma.local [hbm:s5], s20  }
0x9e: {  	_ =	swait.ge [sflag:s22], s20  }
0x9f: {  	s4 =	ssub.s32 $0x0, s20;
	[sflag:s22] =	ssyncset.done $0x0  }
0xa0: {  	[sflag:s22] =	ssyncadd.s32 s4;
	_ =	sdelay $0x1  }
0xa1: {  	s23 =	simm.s32 $0x1B8B  }
0xa2: {  	_ =	swait.ge [sflag:s23], $0x1  }
0xa3: {  	[sflag:s23] =	ssyncset.done $0x0  }
0xa4: {  	s25 =	simm.s32 $0x1B8E;
	s24 =	sld [smem:$0x3FFE];
	[sflag:s23] =	ssyncadd.s32 $0xFFFFFFFF  }
0xa5: {  	s26 =	simm.s32 $execute0_lowered;
	[smem:$0x3FD2] =	sst s25  }
0xa6: {  	s5 =	sshll.u32 s26, $0x1;
	_ =	strace $0x8000004C;
	[dreg:$0x1] =	wrdreg $0xFFFFFFFF  }
0xa7: {  	s28 =	simm.s32 $_size_execute0_lowered;
	s3 =	sadd.s32 s3, s5;
	[dreg:$0x0] =	wrdreg $0x0  }
0xa8: {  	s5 =	sshll.u32 s28, $0x1;
	[dreg:$0x2] =	wrdreg s3  }
0xa9: {  	[dreg:$0x3] =	wrdreg s5  }
0xaa: {  	[dreg:$0x4] =	wrdreg $0xC0  }
0xab: {  	_ =	task [dreg:s7], $0x5FFFF  }
0xac: {  	[dreg:$0x1] =	wrdreg $0xFFFFFFFF  }
0xad: {  	[dreg:$0x0] =	wrdreg $0x60  }
0xae: {  	[dreg:$0x2] =	wrdreg s24  }
0xaf: {  	[dreg:$0x3] =	wrdreg s2  }
0xb0: {  	[dreg:$0x4] =	wrdreg $0xBC000  }
0xb1: {  	[dreg:$0x5] =	wrdreg $0x9  }
0xb2: {  	_ =	task.clear_ibuf [dreg:s7], $0x6FFFF;
	_ =	strace $0x9000004C  }
0xb3: {  	s29 =	simm.s32 $0x9;
	_ =	strace $0x8000004E  }
0xb4: {  	_ =	swait.ge [sflag:s29], $0x1  }
0xb5: {  	[sflag:s29] =	ssyncadd.s32 $0xFFFFFFFF  }
0xb6: {  	_ =	strace $0x9000004E  }
0xb7: {  	_ =	sfence  }
0xb8: {  	s30 =	sld [smem:$0x0];
	_ =	sdelay $0x2  }
0xb9: {  	s31 =	sshll.u32 s1, $0xD;
	s1 =	sshrl.u32 s1, $0x2  }
0xba: {  	s3 =	sand.u32 $0x4000, s31;
	s1 =	sadd.s32 s1, s30  }
0xbb: {  	s0 =	sor.u32 s3, s0;
	s1 =	sshll.u32 s1, $0x11  }
0xbc: {  	s0 =	sor.u32 s1, s0  }
0xbd: {  	s0 =	sadd.s32 $0x8F2B, s0  }
0xbe: {  	[sflag:s0] =	ssyncadd.remote.s32 $0x1  }
0xbf: {  	_ =	sfence.sel $0xFFFF  }
0xc0: {  	[dreg:$0x0] =	wrdreg $0xFFFFFFFF;
	(pc) =	sbr.abs _section_cstart, $3  }
0xc1: {  	[dreg:$0x1] =	wrdreg $0xFFFFFFFF  }
0xc2: {  	_ =	task.clear_ibuf [dreg:s7], $0x2FFFF;
	_ =	strace $0x9FFFFFFF  }
0xc3: {  	(tm) =	ssettm $0x7FFFFFFF  }
tec
execute0_lowered:
.L_overlay_start_1:
0x0: {  	(tag) =	ssettag $0x1  }
0x1: {  	s6 =	rddreg [dreg:$0x0]  }
0x2: {  	s2 =	rddreg [dreg:$0x1]  }
0x3: {  	s1 =	srdreg.scid;
	s0 =	stileid.u32  }
0x4: {  	s3 =	rddreg [dreg:$0x2];
	s4 =	simm.s32 $0x0;
	s12 =	simm.s32 $0x2800  }
0x5: {  	s13 =	simm.s32 $0x7D;
	s14 =	simm.s32 $0x3C00;
	s15 =	simm.s32 $0x80  }
0x6: {  	s16 =	simm.s32 $0x7C00;
	s17 =	simm.s32 $0x1;
	s18 =	simm.s32 $0x2  }
0x7: {  	s19 =	simm.s32 $0x3B00;
	s5 =	sand.u32 $0x1, s1;
	s7 =	sshll.u32 s0, $0x1  }
0x8: {  	s20 =	simm.s32 $0x3B80;
	s1 =	rddreg [dreg:$0x3];
	s7 =	sor.u32 s5, s7  }
0x9: {  	s21 =	simm.s32 $0x0;
	[smem:$0x7FF] =	sst s4;
	s7 =	smul.u32 $0x2800, s7  }
0xa: {  	_ =	strace $0x8000004D;
	s8 =	smul.u32 $0x27100, s5;
	s9 =	ssub.s32 $0x2, s5  }
0xb: {  	s5 =	sadd.s32 $0xC000, s6;
	s31 =	sshrl.u32 s9, $0x1;
	s7 =	sshrl.u32 s7, $0x3  }
0xc: {  	s11 =	sadd.s32 s8, s6;
	s9 =	ssub.s32 s9, s31;
	s10 =	sadd.s32 s7, s6  }
0xd: {  	s9 =	smax.u32 s9, $0x1;
	s6 =	sadd.s32 $0x5AA00, s10;
	s7 =	sadd.s32 $0x2000, s10  }
0xe: {  	s8 =	sadd.s32 $0x2280, s10;
	s10 =	sadd.s32 $0x64A00, s11;
	s11 =	simm.s32 $0x3  }
.LBB2_1:
0xf: {  	s22 =	sand.u32 $0xF, s4  }
0x10: {  	p0 =	sne.s32 s22, s0  }
0x11: {  	s24 =	simm.s32 $0x1;
	s22 =	sshll.u32 @!p0 s0, $0x6  }
0x12: {  	s23 =	sshrl.u32 @!p0 s3, $0x3;
	s25 =	simm.s32 @!p0 $0x3;
	s22 =	sor.u32 @!p0 $0x1C03, s22  }
0x13: {  	[spmem:s23], [sflag:s22] =	dma.local @!p0 [hbm:s2], $0x1900  }
0x14: {  	s26 =	sand.u32 $0xF, s24;
	s24 =	sadd.s32 $0xC800, s3;
	_ =	swait.ge @!p0 [sflag:s25], $0x1900  }
0x15: {  	s23 =	simm.s32 $0x2;
	s22 =	sadd.s32 $0x1900, s2;
	[sflag:s25] =	ssyncset.done @!p0 $0x0  }
.LBB2_2:
0x16: {  	[sflag:s25] =	ssyncadd.s32 @!p0 $0xFFFFE700  }
0x17: {  	p0 =	sne.s32 s26, s0;
	s26 =	smov.u32 s23;
	s23 =	sadd.s32 $0x1, s23  }
0x18: {  	p1 =	sne.s32 s23, $0x19  }
.Ltmp0:
0x19: {  	s25 =	sshll.u32 @!p0 s0, $0x6;
	s28 =	sshrl.u32 @!p0 s24, $0x3;
	(pc) =	sbr.rel @p1 .LBB2_2-.Ltmp0, $4  }
0x1a: {  	s29 =	sor.u32 @!p0 $0x1C03, s25;
	s25 =	simm.s32 @!p0 $0x3  }
0x1b: {  	[spmem:s28], [sflag:s29] =	dma.local @!p0 [hbm:s22], $0x1900  }
0x1c: {  	s22 =	sadd.s32 $0x1900, s22;
	_ =	swait.ge @!p0 [sflag:s25], $0x1900  }
0x1d: {  	s26 =	sand.u32 $0xF, s26;
	s24 =	sadd.s32 $0xC800, s24;
	[sflag:s25] =	ssyncset.done @!p0 $0x0  }
0x1e: {  	p1 =	sne.s32 s26, s0  }
0x1f: {  	[sflag:s25] =	ssyncadd.s32 @!p0 $0xFFFFE700;
	s23 =	sshll.u32 @!p1 s0, $0x6  }
0x20: {  	s24 =	sshrl.u32 @!p1 s24, $0x3;
	s25 =	simm.s32 @!p1 $0x3;
	s23 =	sor.u32 @!p1 $0x1C03, s23  }
0x21: {  	[spmem:s24], [sflag:s23] =	dma.local @!p1 [hbm:s22], $0x1900  }
0x22: {  	_ =	swait.ge @!p1 [sflag:s25], $0x1900  }
0x23: {  	[sflag:s25] =	ssyncset.done @!p1 $0x0  }
0x24: {  	s22 =	simm.s32 $0x0;
	[sflag:s25] =	ssyncadd.s32 @!p1 $0xFFFFE700  }
0x25: {  	[tilespmem:s22], [sflag:$0x3] =	stream.linear.gather [hbm4b:s6+s22], $0x2800, $0x38;
	[tilespmem:$0x1F480] =	vst v63  }
0x26: {  	_ =	swait.ge [sflag:s11], $0x2800  }
0x27: {  	[sflag:s11] =	ssyncset.done $0x0  }
0x28: {  	[sflag:s11] =	ssyncadd.s32 $0xFFFFD800  }
0x29: {  	[tilespmem:s12], [sflag:$0x3] =	stream.linear.gather [hbm4b:s7+s22], $0x1400, $0x38;
	[tilespmem:$0x1F480] =	vst v63  }
0x2a: {  	_ =	swait.ge [sflag:s11], $0x1400  }
0x2b: {  	[sflag:s11] =	ssyncset.done $0x0  }
0x2c: {  	[sflag:s11] =	ssyncadd.s32 $0xFFFFEC00  }
0x2d: {  	p5 =	por $0x1, $0x1;
	[bflag:$0x0] =	sbarrier.arrive $0xFFFF  }
0x2e: {  	[tilespmem:s14], [sflag:$0x1] =	stream.indirect.gather [hbm4b:s5+s13], $0x80, s22, s13, $0xb8;
	[tilespmem:$0x1F480] =	vst v63  }
0x2f: {  	p0 =	por p5, p5  }
0x30: {  	[tilespmem:s16], [sflag:$0x2] =	stream.indirect.gather [hbm4b:s5+s13], $0x80, s15, s13, $0xb8;
	[tilespmem:$0x1F480] =	vst v63  }
0x31: {  	s23 =	simm.s32 @!p0 $0x0;
	s24 =	simm.s32 @!p0 $0x2800;
	s25 =	simm.s32 @!p0 $0x3  }
0x32: {  	[tilespmem:s24], [sflag:$0x3] =	stream.linear.gather @!p0 [hbm4b:s8+s23], $0x1400, $0x38;
	[tilespmem:$0x1F480] =	vst v63  }
0x33: {  	_ =	swait.ge @!p0 [sflag:s25], $0x1400  }
0x34: {  	[sflag:s25] =	ssyncset.done @!p0 $0x0  }
0x35: {  	s23 =	simm.s32 $0xFFFFB000;
	[sflag:s25] =	ssyncadd.s32 @!p0 $0xFFFFEC00;
	p0 =	por $0x1, $0x1  }
0x36: {  	_ =	swait.ge [sflag:s17], $0x3E80;
	s23 =	smov.u32 @p0 s22  }
0x37: {  	[sflag:s17] =	ssyncset.done $0x0;
	s22 =	sshra.s32 s23, $0x2  }
0x38: {  	[sflag:s17] =	ssyncadd.s32 $0xFFFFC180;
	s22 =	sadd.s32 $0x2800, s22  }
0x39: {  	[spmem:s3] =	stream.indirect.scatter.add.f32 [tilespmem:s14], [sflag:$0x3], $0x80, s22, s13, $0xb8;
	[tilespmem:$0x1F480] =	vst v63  }
0x3a: {  	_ =	swait.ge [sflag:s11], $0x3E80  }
0x3b: {  	s23 =	simm.s32 $0xFFFFFFD9;
	s22 =	simm.s32 $0x1;
	[sflag:s11] =	ssyncset.done $0x0  }
0x3c: {  	s30 =	simm.s32 $0x100;
	s23 =	smov.u32 @p0 s22;
	[sflag:s11] =	ssyncadd.s32 $0xFFFFC180  }
0x3d: {  	[tilespmem:s14], [sflag:$0x1] =	stream.indirect.gather [hbm4b:s5+s13], $0x80, s30, s13, $0xb8;
	[tilespmem:$0x1F480] =	vst v63  }
0x3e: {  	s31 =	sshll.u32 s23, $0x7;
	_ =	swait.ge [sflag:s18], $0x3E80  }
0x3f: {  	s23 =	sand.u32 $0x3FFFFF80, s31;
	[sflag:s18] =	ssyncset.done $0x0  }
0x40: {  	p6 =	por $0x1, $0x1;
	s23 =	sadd.s32 $0x2800, s23;
	[sflag:s18] =	ssyncadd.s32 $0xFFFFC180  }
0x41: {  	[spmem:s3] =	stream.indirect.scatter.add.f32 [tilespmem:s16], [sflag:$0x3], $0x80, s23, s13, $0xb8;
	[tilespmem:$0x1F480] =	vst v63  }
0x42: {  	s26 =	simm.s32 $0x180;
	s24 =	simm.s32 $0x1;
	_ =	swait.ge [sflag:s11], $0x3E80  }
0x43: {  	s25 =	simm.s32 $0x800;
	s22 =	simm.s32 $0x400;
	[sflag:s11] =	ssyncset.done $0x0  }
0x44: {  	p0 =	por p6, p6;
	s23 =	simm.s32 $0x3;
	[sflag:s11] =	ssyncadd.s32 $0xFFFFC180  }
.LBB2_4:
0x45: {  	[tilespmem:s16], [sflag:$0x2] =	stream.indirect.gather [hbm4b:s5+s13], $0x80, s26, s13, $0xb8;
	[tilespmem:$0x1F480] =	vst v63  }
0x46: {  	s26 =	smov.u32 s25  }
0x47: {  	s28 =	simm.s32 @!p0 $0x0;
	s29 =	simm.s32 @!p0 $0x2800;
	s30 =	simm.s32 @!p0 $0x3  }
0x48: {  	[tilespmem:s29], [sflag:$0x3] =	stream.linear.gather @!p0 [hbm4b:s8+s28], $0x1400, $0x38;
	[tilespmem:$0x1F480] =	vst v63  }
0x49: {  	s25 =	sadd.s32 $0x400, s25;
	p2 =	sne.s32 s26, $0x5000;
	_ =	swait.ge @!p0 [sflag:s30], $0x1400  }
0x4a: {  	p1 =	sne.s32 s25, $0x9C00;
	s28 =	sadd.s32 $0xFFFFFFD8, s23;
	[sflag:s30] =	ssyncset.done @!p0 $0x0  }
0x4b: {  	s29 =	sadd.s32 $0xFFFFB000, s22;
	[sflag:s30] =	ssyncadd.s32 @!p0 $0xFFFFEC00;
	p0 =	slt.u32 s24, $0x14  }
0x4c: {  	_ =	swait.ge [sflag:s17], $0x3E80;
	s29 =	smov.u32 @p0 s22;
	s28 =	smov.u32 @p0 s23  }
0x4d: {  	[sflag:s17] =	ssyncset.done $0x0;
	s29 =	sshra.s32 s29, $0x2;
	s28 =	sshll.u32 s28, $0x7  }
0x4e: {  	[sflag:s17] =	ssyncadd.s32 $0xFFFFC180;
	s29 =	sadd.s32 $0x2800, s29;
	s28 =	sand.u32 $0x3FFFFF80, s28  }
0x4f: {  	[spmem:s3] =	stream.indirect.scatter.add.f32 [tilespmem:s14], [sflag:$0x3], $0x80, s29, s13, $0xb8;
	[tilespmem:$0x1F480] =	vst v63  }
0x50: {  	p0 =	por p2, p2;
	_ =	swait.ge [sflag:s11], $0x3E80  }
0x51: {  	s29 =	sshra.s32 s22, $0x2;
	s22 =	smov.u32 s26;
	[sflag:s11] =	ssyncset.done $0x0  }
0x52: {  	s26 =	sadd.s32 $0x100, s29;
	[sflag:s11] =	ssyncadd.s32 $0xFFFFC180  }
0x53: {  	[tilespmem:s14], [sflag:$0x1] =	stream.indirect.gather [hbm4b:s5+s13], $0x80, s26, s13, $0xb8;
	[tilespmem:$0x1F480] =	vst v63  }
0x54: {  	_ =	swait.ge [sflag:s18], $0x3E80  }
0x55: {  	[sflag:s18] =	ssyncset.done $0x0  }
.Ltmp1:
0x56: {  	s26 =	sadd.s32 $0x2800, s28;
	[sflag:s18] =	ssyncadd.s32 $0xFFFFC180;
	(pc) =	sbr.rel @p1 .LBB2_4-.Ltmp1, $4  }
0x57: {  	[spmem:s3] =	stream.indirect.scatter.add.f32 [tilespmem:s16], [sflag:$0x3], $0x80, s26, s13, $0xb8;
	[tilespmem:$0x1F480] =	vst v63  }
0x58: {  	_ =	swait.ge [sflag:s11], $0x3E80  }
0x59: {  	s23 =	sadd.s32 $0x2, s23;
	[sflag:s11] =	ssyncset.done $0x0  }
0x5a: {  	s24 =	sadd.s32 $0x1, s24;
	s26 =	sadd.s32 $0x180, s29;
	[sflag:s11] =	ssyncadd.s32 $0xFFFFC180  }
0x5b: {  	[tilespmem:s16], [sflag:$0x2] =	stream.indirect.gather [hbm4b:s5+s13], $0x80, s26, s13, $0xb8;
	[tilespmem:$0x1F480] =	vst v63  }
0x5c: {  	s25 =	simm.s32 @!p0 $0x0;
	s26 =	simm.s32 @!p0 $0x2800;
	s28 =	simm.s32 @!p0 $0x3  }
0x5d: {  	[tilespmem:s26], [sflag:$0x3] =	stream.linear.gather @!p0 [hbm4b:s8+s25], $0x1400, $0x38;
	[tilespmem:$0x1F480] =	vst v63  }
0x5e: {  	_ =	swait.ge @!p0 [sflag:s28], $0x1400  }
0x5f: {  	[sflag:s28] =	ssyncset.done @!p0 $0x0  }
0x60: {  	[sflag:s28] =	ssyncadd.s32 @!p0 $0xFFFFEC00;
	p0 =	slt.u32 s24, $0x14;
	s24 =	sadd.s32 $0xFFFFB000, s22  }
0x61: {  	_ =	swait.ge [sflag:s17], $0x3E80;
	s24 =	smov.u32 @p0 s22  }
0x62: {  	[sflag:s17] =	ssyncset.done $0x0;
	s24 =	sshra.s32 s24, $0x2  }
0x63: {  	[sflag:s17] =	ssyncadd.s32 $0xFFFFC180;
	s24 =	sadd.s32 $0x2800, s24  }
0x64: {  	[spmem:s3] =	stream.indirect.scatter.add.f32 [tilespmem:s14], [sflag:$0x3], $0x80, s24, s13, $0xb8;
	[tilespmem:$0x1F480] =	vst v63  }
0x65: {  	_ =	swait.ge [sflag:s11], $0x3E80  }
0x66: {  	s26 =	sshra.s32 s22, $0x2;
	s24 =	sadd.s32 $0xFFFFFFD8, s23;
	[sflag:s11] =	ssyncset.done $0x0  }
0x67: {  	s28 =	sadd.s32 $0x100, s26;
	s24 =	smov.u32 @p0 s23;
	[sflag:s11] =	ssyncadd.s32 $0xFFFFC180  }
0x68: {  	[tilespmem:s14], [sflag:$0x1] =	stream.indirect.gather [hbm4b:s5+s13], $0x80, s28, s13, $0xb8;
	[tilespmem:$0x1F480] =	vst v63  }
0x69: {  	s29 =	sshll.u32 s24, $0x7;
	_ =	swait.ge [sflag:s18], $0x3E80  }
0x6a: {  	s23 =	sand.u32 $0x3FFFFF80, s29;
	[sflag:s18] =	ssyncset.done $0x0  }
0x6b: {  	s23 =	sadd.s32 $0x2800, s23;
	[sflag:s18] =	ssyncadd.s32 $0xFFFFC180  }
0x6c: {  	[spmem:s3] =	stream.indirect.scatter.add.f32 [tilespmem:s16], [sflag:$0x3], $0x80, s23, s13, $0xb8;
	[tilespmem:$0x1F480] =	vst v63  }
0x6d: {  	_ =	swait.ge [sflag:s11], $0x3E80  }
0x6e: {  	[sflag:s11] =	ssyncset.done $0x0  }
0x6f: {  	s22 =	sadd.s32 $0x180, s26;
	[sflag:s11] =	ssyncadd.s32 $0xFFFFC180  }
0x70: {  	[tilespmem:s16], [sflag:$0x2] =	stream.indirect.gather [hbm4b:s5+s13], $0x80, s22, s13, $0xb8;
	[tilespmem:$0x1F480] =	vst v63  }
0x71: {  	_ =	swait.ge [sflag:s17], $0x3E80  }
0x72: {  	[sflag:s17] =	ssyncset.done $0x0  }
0x73: {  	[sflag:s17] =	ssyncadd.s32 $0xFFFFC180  }
0x74: {  	[spmem:s3] =	stream.indirect.scatter.add.f32 [tilespmem:s14], [sflag:$0x3], $0x80, s19, s13, $0xb8;
	[tilespmem:$0x1F480] =	vst v63  }
0x75: {  	_ =	swait.ge [sflag:s11], $0x3E80  }
0x76: {  	[sflag:s11] =	ssyncset.done $0x0  }
0x77: {  	[sflag:s11] =	ssyncadd.s32 $0xFFFFC180  }
0x78: {  	_ =	swait.ge [sflag:s18], $0x3E80  }
0x79: {  	[sflag:s18] =	ssyncset.done $0x0  }
0x7a: {  	s30 =	simm.s32 $0x0;
	[sflag:s18] =	ssyncadd.s32 $0xFFFFC180  }
0x7b: {  	[spmem:s3] =	stream.indirect.scatter.add.f32 [tilespmem:s16], [sflag:$0x3], $0x80, s20, s13, $0xb8;
	[tilespmem:$0x1F480] =	vst v63  }
0x7c: {  	s22 =	sand.u32 $0xF, s30;
	_ =	swait.ge [sflag:s11], $0x3E80  }
0x7d: {  	s31 =	simm.s32 $0x1;
	p0 =	sne.s32 s22, s0;
	[sflag:s11] =	ssyncset.done $0x0  }
0x7e: {  	s22 =	sshll.u32 @!p0 s0, $0x6;
	s23 =	sshrl.u32 @!p0 s3, $0x3;
	[sflag:s11] =	ssyncadd.s32 $0xFFFFC180  }
0x7f: {  	s25 =	simm.s32 @!p0 $0x3;
	s22 =	sor.u32 @!p0 $0x1C03, s22;
	[bflag:$0x0] =	sbarrier.arrive $0xFFFF  }
0x80: {  	[hbm:s10], [sflag:s22] =	dma.local @!p0 [spmem:s23], $0x1900  }
0x81: {  	s26 =	sand.u32 $0xF, s31;
	s24 =	sadd.s32 $0xC800, s3;
	_ =	swait.ge @!p0 [sflag:s25], $0x1900  }
0x82: {  	s23 =	simm.s32 $0x2;
	s22 =	sadd.s32 $0x1900, s10;
	[sflag:s25] =	ssyncset.done @!p0 $0x0  }
.LBB2_6:
0x83: {  	[sflag:s25] =	ssyncadd.s32 @!p0 $0xFFFFE700  }
0x84: {  	p0 =	sne.s32 s26, s0;
	s26 =	smov.u32 s23;
	s23 =	sadd.s32 $0x1, s23  }
0x85: {  	p1 =	sne.s32 s23, $0x19  }
.Ltmp2:
0x86: {  	s25 =	sshll.u32 @!p0 s0, $0x6;
	s28 =	sshrl.u32 @!p0 s24, $0x3;
	(pc) =	sbr.rel @p1 .LBB2_6-.Ltmp2, $4  }
0x87: {  	s29 =	sor.u32 @!p0 $0x1C03, s25;
	s25 =	simm.s32 @!p0 $0x3  }
0x88: {  	[hbm:s22], [sflag:s29] =	dma.local @!p0 [spmem:s28], $0x1900  }
0x89: {  	s22 =	sadd.s32 $0x1900, s22;
	_ =	swait.ge @!p0 [sflag:s25], $0x1900  }
0x8a: {  	s26 =	sand.u32 $0xF, s26;
	s24 =	sadd.s32 $0xC800, s24;
	[sflag:s25] =	ssyncset.done @!p0 $0x0  }
0x8b: {  	p1 =	sne.s32 s26, s0;
	[sflag:s25] =	ssyncadd.s32 @!p0 $0xFFFFE700;
	s21 =	sadd.s32 $0x1, s21  }
0x8c: {  	s23 =	sshll.u32 @!p1 s0, $0x6;
	s24 =	sshrl.u32 @!p1 s24, $0x3;
	p0 =	sne.s32 s21, s9  }
.Ltmp3:
0x8d: {  	s25 =	simm.s32 @!p1 $0x3;
	s23 =	sor.u32 @!p1 $0x1C03, s23;
	(pc) =	sbr.rel @p0 .LBB2_1-.Ltmp3, $4  }
0x8e: {  	[hbm:s22], [sflag:s23] =	dma.local @!p1 [spmem:s24], $0x1900  }
0x8f: {  	_ =	swait.ge @!p1 [sflag:s25], $0x1900  }
0x90: {  	[sflag:s25] =	ssyncset.done @!p1 $0x0  }
0x91: {  	[sflag:s25] =	ssyncadd.s32 @!p1 $0xFFFFE700  }
0x92: {  	_ =	sfence.sel $0x180000  }
0x93: {  	[bflag:$0x0] =	sbarrier.arrive $0xFFFF  }
0x94: {  	p0 =	sne.s32 s0, $0x0;
	_ =	strace $0x9000004D  }
0x95: {  	s0 =	sadd.s32 @!p0 $0x100000, s1;
	[bflag:$0x2] =	sbarrier.arrive $0xFFFF  }
0x96: {  	[sflag:s0] =	ssyncadd.tile.s32 @!p0 $0x1;
	_ =	shalt  }
.Lfunc_end2:
_tile_overlayer_lowered:
.L_overlay_start_2:
0x97: {  	(tag) =	ssettag $0x2  }
0x98: {  	s0 =	rddreg [dreg:$0x0];
	s2 =	stileid.u32  }
0x99: {  	s1 =	rddreg [dreg:$0x1];
	p0 =	sne.s32 s2, $0x0  }
0x9a: {  	s3 =	rddreg [dreg:$0x2];
	[bflag:$0x3] =	sbarrier.arrive $0xFFFF;
	s2 =	simm.s32 @!p0 $0x1C03  }
0x9b: {  	[timem:s3], [sflag:s2] =	dma.local @!p0 [hbm:s0], s1  }
0x9c: {  	s0 =	simm.s32 @!p0 $0x3  }
0x9d: {  	_ =	swait.ge @!p0 [sflag:s0], s1  }
0x9e: {  	s1 =	ssub.s32 @!p0 $0x0, s1;
	[sflag:s0] =	ssyncset.done @!p0 $0x0  }
0x9f: {  	[sflag:s0] =	ssyncadd.s32 @!p0 s1  }
0xa0: {  	[bflag:$0x3] =	sbarrier.arrive $0xFFFF  }
0xa1: {  	_ =	shalt  }

// kernel: kernel.9.cloned.1.call-start
scs
__scs_entry_jumppad:
0x0: {  	(pc) =	sbr.rel $0x88, $3  }
0x1: {  	(tag) =	ssettag $0x0;
	lr =	simm.s32 $0x1  }
0x2: {  	[smem:$0x3F9B] =	sst lr;
	_ =	strace $0xD0000000  }
0x3: {  	_ = 	snop  }
0x4: {  	_ = 	snop  }
0x5: {  	_ = 	snop  }
0x6: {  	_ = 	snop  }
0x7: {  	_ = 	snop  }
__scs_overlays_trampoline_lowered:
0x8: {  	[smem:$0x3FAA] =	sst s0  }
0x9: {  	[smem:$0x3FAB] =	sst s1  }
0xa: {  	[smem:$0x3FAC] =	sst s2  }
0xb: {  	[smem:$0x3FAD] =	sst s3  }
0xc: {  	[smem:$0x3FAE] =	sst s4  }
0xd: {  	[smem:$0x3FAF] =	sst s5  }
0xe: {  	[smem:$0x3FB0] =	sst s6  }
0xf: {  	[smem:$0x3FB1] =	sst s7  }
0x10: {  	[smem:$0x3FB2] =	sst s8  }
0x11: {  	[smem:$0x3FB3] =	sst s9;
	s0 =	simm.s32 @!p0 $0x0  }
0x12: {  	s1 =	sld [smem:$0x3F99];
	s0 =	simm.s32 @p0 $0x1  }
0x13: {  	[smem:$0x3FB4] =	sst s0;
	s0 =	simm.s32 @!p1 $0x0  }
0x14: {  	s2 =	sld [smem:$0x3F98];
	s0 =	simm.s32 @p1 $0x1  }
0x15: {  	[smem:$0x3FB5] =	sst s0;
	s0 =	simm.s32 @!p2 $0x0  }
0x16: {  	s3 =	sld [smem:$0x3FDB];
	s0 =	simm.s32 @p2 $0x1  }
0x17: {  	s4 =	simm.s32 $0x1BF5;
	[smem:$0x3FB7] =	sst s0  }
0x18: {  	s0 =	sld [smem:$0x3F9A];
	_ =	swait.ge [sflag:s4], $0x0  }
0x19: {  	s7 =	sld [smem:$0x3F9B]  }
0x1a: {  	s8 =	sadd.s32 $0xFFFFE003, lr  }
0x1b: {  	s9 =	sadd.s32 $0xFFFFFEF7, lr;
	s5 =	simm.s32 $0xFFFFFFFF;
	p2 =	slt.u32 s8, $0xFFFFF086  }
0x1c: {  	p1 =	slt.u32 s9, $0xF7A;
	s5 =	simm.s32 @!p2 $0x0  }
0x1d: {  	s5 =	simm.s32 @p1 $0x1;
	p0 =	seq.s32 s7, s2  }
0x1e: {  	s7 =	smul.u32 @!p0 $0xF7A, s2;
	p2 =	seq.s32 @!p0 s5, $0x0  }
0x1f: {  	s9 =	smul.u32 $0xF7A, s1;
	s8 =	simm.s32 @!p0 $0x1BF5;
	p2 =	por !p2, p0  }
0x20: {  	[sflag:s8] =	ssyncset.s32 @!p0 $0xFFFFF086;
	s6 =	sadd.s32 @!p0 s3, s7;
	s7 =	simm.s32 @!p0 $0x108  }
0x21: {  	s3 =	sadd.s32 s3, s9;
	s6 =	sadd.s32 @!p0 $0x88, s6;
	s7 =	simm.s32 @p2 $0x1082  }
0x22: {  	[simem:s7], [sflag:s8] =	dma.local @!p0 [hbm:s6], $0xF7A  }
0x23: {  	s9 =	sor.u32 $0xD0000000, s2;
	s6 =	simm.s32 $0x108;
	_ =	swait.ge @!p0 [sflag:s8], $0x0  }
0x24: {  	s3 =	sadd.s32 $0x88, s3;
	s6 =	simm.s32 @!p1 $0x1082;
	[sflag:s4] =	ssyncset.s32 $0xFFFFF086  }
0x25: {  	[simem:s6], [sflag:s4] =	dma.local [hbm:s3], $0xF7A  }
0x26: {  	[smem:$0x3F9B] =	sst s1;
	(tag) =	ssettag s2;
	_ =	strace s9  }
0x27: {  	s1 =	sld [smem:$0x3FAB]  }
0x28: {  	s2 =	sld [smem:$0x3FAC]  }
0x29: {  	s4 =	sld [smem:$0x3FAE]  }
0x2a: {  	p0 =	seq.s32 s5, $0x0;
	s5 =	sld [smem:$0x3FAF]  }
0x2b: {  	s6 =	sld [smem:$0x3FB0]  }
0x2c: {  	s7 =	sld [smem:$0x3FB1]  }
0x2d: {  	s3 =	simm.s32 $0x108;
	s8 =	sld [smem:$0x3FB2]  }
0x2e: {  	s3 =	simm.s32 @!p0 $0x1082;
	s9 =	sld [smem:$0x3FB3]  }
0x2f: {  	lr =	sadd.s32 s0, s3;
	s0 =	sld [smem:$0x3FAA]  }
0x30: {  	s3 =	sld [smem:$0x3FAD]  }
0x31: {  	[smem:$0x3FB6] =	sst s10  }
0x32: {  	s10 =	sld [smem:$0x3FB4];
	_ =	sdelay $0x3  }
0x33: {  	p0 =	seq.s32 s10, $0x1;
	s10 =	sld [smem:$0x3FB6];
	_ =	sdelay $0x3  }
0x34: {  	[smem:$0x3FB6] =	sst s10  }
0x35: {  	s10 =	sld [smem:$0x3FB5];
	_ =	sdelay $0x3  }
0x36: {  	p1 =	seq.s32 s10, $0x1;
	s10 =	sld [smem:$0x3FB6];
	_ =	sdelay $0x3  }
0x37: {  	[smem:$0x3FB6] =	sst s10  }
0x38: {  	s10 =	sld [smem:$0x3FB7]  }
0x39: {  	_ = 	snop;
	(pc) =	sbr.ind lr, $3  }
0x3a: {  	_ = 	snop  }
0x3b: {  	_ = 	snop  }
0x3c: {  	p2 =	seq.s32 s10, $0x1;
	s10 =	sld [smem:$0x3FB6]  }
0x3d: {  	_ =	shalt  }
0x3e: {  	_ =	shalt  }
0x3f: {  	_ =	shalt  }
0x40: {  	_ =	shalt  }
0x41: {  	_ =	shalt  }
0x42: {  	_ =	shalt  }
0x43: {  	_ =	shalt  }
0x44: {  	_ =	shalt  }
0x45: {  	_ =	shalt  }
0x46: {  	_ =	shalt  }
0x47: {  	_ =	shalt  }
0x48: {  	_ =	shalt  }
0x49: {  	_ =	shalt  }
0x4a: {  	_ =	shalt  }
0x4b: {  	_ =	shalt  }
0x4c: {  	_ =	shalt  }
0x4d: {  	_ =	shalt  }
0x4e: {  	_ =	shalt  }
0x4f: {  	_ =	shalt  }
0x50: {  	_ =	shalt  }
0x51: {  	_ =	shalt  }
0x52: {  	_ =	shalt  }
0x53: {  	_ =	shalt  }
0x54: {  	_ =	shalt  }
0x55: {  	_ =	shalt  }
0x56: {  	_ =	shalt  }
0x57: {  	_ =	shalt  }
0x58: {  	_ =	shalt  }
0x59: {  	_ =	shalt  }
0x5a: {  	_ =	shalt  }
0x5b: {  	_ =	shalt  }
0x5c: {  	_ =	shalt  }
0x5d: {  	_ =	shalt  }
0x5e: {  	_ =	shalt  }
0x5f: {  	_ =	shalt  }
0x60: {  	_ =	shalt  }
0x61: {  	_ =	shalt  }
0x62: {  	_ =	shalt  }
0x63: {  	_ =	shalt  }
0x64: {  	_ =	shalt  }
0x65: {  	_ =	shalt  }
0x66: {  	_ =	shalt  }
0x67: {  	_ =	shalt  }
0x68: {  	_ =	shalt  }
0x69: {  	_ =	shalt  }
0x6a: {  	_ =	shalt  }
0x6b: {  	_ =	shalt  }
0x6c: {  	_ =	shalt  }
0x6d: {  	_ =	shalt  }
0x6e: {  	_ =	shalt  }
0x6f: {  	_ =	shalt  }
0x70: {  	_ =	shalt  }
0x71: {  	_ =	shalt  }
0x72: {  	_ =	shalt  }
0x73: {  	_ =	shalt  }
0x74: {  	_ =	shalt  }
0x75: {  	_ =	shalt  }
0x76: {  	_ =	shalt  }
0x77: {  	_ =	shalt  }
0x78: {  	_ =	shalt  }
0x79: {  	_ =	shalt  }
0x7a: {  	_ =	shalt  }
0x7b: {  	_ =	shalt  }
0x7c: {  	_ =	shalt  }
0x7d: {  	_ =	shalt  }
0x7e: {  	_ =	shalt  }
0x7f: {  	_ =	shalt  }
0x80: {  	_ =	shalt  }
0x81: {  	_ =	shalt  }
0x82: {  	_ =	shalt  }
0x83: {  	_ =	shalt  }
0x84: {  	_ =	shalt  }
0x85: {  	_ =	shalt  }
0x86: {  	_ =	shalt  }
0x87: {  	_ =	shalt  }
.Lfunc_end0:
.L_simem_size_0:
called_computation_lowered:
.L_overlay_start_0:
0x88: {  	s2 =	sld [smem:$0x3FD9]  }
0x89: {  	s3 =	sld [smem:$0x3FFE];
	_ =	sdelay $0x1  }
0x8a: {  	s1 =	srdreg.scid  }
0x8b: {  	s0 =	sand.u32 $0x1, s1  }
0x8c: {  	s17 =	sshll.u32 s0, $0xA;
	s2 =	sadd.s32 s3, s2  }
0x8d: {  	s2 =	sadd.s32 s2, s17  }
0x8e: {  	[smem:$0x3FC2] =	sst s2  }
0x8f: {  	_ = 	snop  }
0x90: {  	s2 =	sld [smem:$0x3FD0];
	(tm) =	ssettm $0x1  }
0x91: {  	s18 =	sld [smem:$0x3FFB];
	_ =	sdelay $0x3  }
0x92: {  	_ =	strace s18  }
0x93: {  	s3 =	sld [smem:$0x3FFC];
	_ =	sdelay $0x3  }
0x94: {  	_ =	strace s3  }
0x95: {  	s3 =	sld [smem:$0x3FFD];
	_ =	sdelay $0x3  }
0x96: {  	_ =	strace s3  }
0x97: {  	_ =	strace $0x8FFFFFFF  }
0x98: {  	s19 =	sld [smem:$0x3FDB];
	_ =	sdelay $0x1  }
0x99: {  	s4 =	simm.s32 $_scs_section_size  }
0x9a: {  	s5 =	simm.s32 $_size__tile_overlayer_lowered;
	s6 =	simm.s32 $_tile_overlayer_lowered  }
0x9b: {  	s22 =	simm.s32 $0x1BFF;
	s21 =	sshll.u32 s6, $0x1;
	s3 =	sadd.s32 s4, s19  }
0x9c: {  	s7 =	simm.s32 $0x0;
	s20 =	sshll.u32 s5, $0x1;
	s5 =	sadd.s32 s21, s3  }
0x9d: {  	[timem:s7], [sflag:s22] =	dma.local [hbm:s5], s20  }
0x9e: {  	_ =	swait.ge [sflag:s22], s20  }
0x9f: {  	s4 =	ssub.s32 $0x0, s20;
	[sflag:s22] =	ssyncset.done $0x0  }
0xa0: {  	[sflag:s22] =	ssyncadd.s32 s4;
	_ =	sdelay $0x1  }
0xa1: {  	s23 =	simm.s32 $0x1B8B  }
0xa2: {  	_ =	swait.ge [sflag:s23], $0x1  }
0xa3: {  	[sflag:s23] =	ssyncset.done $0x0  }
0xa4: {  	s25 =	simm.s32 $0x1B8E;
	s24 =	sld [smem:$0x3FFE];
	[sflag:s23] =	ssyncadd.s32 $0xFFFFFFFF  }
0xa5: {  	s26 =	simm.s32 $execute0_lowered;
	[smem:$0x3FD2] =	sst s25  }
0xa6: {  	s5 =	sshll.u32 s26, $0x1;
	_ =	strace $0x80000046;
	[dreg:$0x1] =	wrdreg $0xFFFFFFFF  }
0xa7: {  	s28 =	simm.s32 $_size_execute0_lowered;
	s3 =	sadd.s32 s3, s5;
	[dreg:$0x0] =	wrdreg $0x0  }
0xa8: {  	s5 =	sshll.u32 s28, $0x1;
	[dreg:$0x2] =	wrdreg s3  }
0xa9: {  	[dreg:$0x3] =	wrdreg s5  }
0xaa: {  	[dreg:$0x4] =	wrdreg $0xC0  }
0xab: {  	_ =	task [dreg:s7], $0x5FFFF  }
0xac: {  	[dreg:$0x1] =	wrdreg $0xFFFFFFFF  }
0xad: {  	[dreg:$0x0] =	wrdreg $0x60  }
0xae: {  	[dreg:$0x2] =	wrdreg s24  }
0xaf: {  	[dreg:$0x3] =	wrdreg s2  }
0xb0: {  	[dreg:$0x4] =	wrdreg $0x68000  }
0xb1: {  	[dreg:$0x5] =	wrdreg $0x9  }
0xb2: {  	_ =	task.clear_ibuf [dreg:s7], $0x6FFFF;
	_ =	strace $0x90000046  }
0xb3: {  	s29 =	simm.s32 $0x9;
	_ =	strace $0x80000048  }
0xb4: {  	_ =	swait.ge [sflag:s29], $0x1  }
0xb5: {  	[sflag:s29] =	ssyncadd.s32 $0xFFFFFFFF  }
0xb6: {  	_ =	strace $0x90000048  }
0xb7: {  	_ =	sfence  }
0xb8: {  	s30 =	sld [smem:$0x0];
	_ =	sdelay $0x2  }
0xb9: {  	s31 =	sshll.u32 s1, $0xD;
	s1 =	sshrl.u32 s1, $0x2  }
0xba: {  	s3 =	sand.u32 $0x4000, s31;
	s1 =	sadd.s32 s1, s30  }
0xbb: {  	s0 =	sor.u32 s3, s0;
	s1 =	sshll.u32 s1, $0x11  }
0xbc: {  	s0 =	sor.u32 s1, s0  }
0xbd: {  	s0 =	sadd.s32 $0x8F2B, s0  }
0xbe: {  	[sflag:s0] =	ssyncadd.remote.s32 $0x1  }
0xbf: {  	_ =	sfence.sel $0xFFFF  }
0xc0: {  	[dreg:$0x0] =	wrdreg $0xFFFFFFFF;
	(pc) =	sbr.abs _section_cstart, $3  }
0xc1: {  	[dreg:$0x1] =	wrdreg $0xFFFFFFFF  }
0xc2: {  	_ =	task.clear_ibuf [dreg:s7], $0x2FFFF;
	_ =	strace $0x9FFFFFFF  }
0xc3: {  	(tm) =	ssettm $0x7FFFFFFF  }
tec
execute0_lowered:
.L_overlay_start_1:
0x0: {  	(tag) =	ssettag $0x1  }
0x1: {  	s6 =	rddreg [dreg:$0x0]  }
0x2: {  	s2 =	rddreg [dreg:$0x1]  }
0x3: {  	s1 =	srdreg.scid;
	s0 =	stileid.u32  }
0x4: {  	s3 =	rddreg [dreg:$0x2];
	s4 =	simm.s32 $0x0;
	s11 =	simm.s32 $0x7D  }
0x5: {  	s12 =	simm.s32 $0x1;
	s5 =	sand.u32 $0x1, s1;
	s7 =	sshll.u32 s0, $0x1  }
0x6: {  	s13 =	simm.s32 $0x0;
	s1 =	rddreg [dreg:$0x3];
	s7 =	sor.u32 s5, s7  }
0x7: {  	[smem:$0x7FF] =	sst s4;
	s8 =	ssub.s32 $0x2, s5;
	s7 =	smul.u32 $0x500, s7  }
0x8: {  	_ =	strace $0x80000047;
	s9 =	smul.u32 $0x27100, s5;
	s10 =	sshrl.u32 s8, $0x1  }
0x9: {  	s5 =	sadd.s32 $0xC000, s6;
	s8 =	ssub.s32 s8, s10;
	s7 =	sadd.s32 s7, s6  }
0xa: {  	s9 =	sadd.s32 s9, s6;
	s10 =	simm.s32 $0x2800;
	s6 =	sadd.s32 $0x2000, s7  }
0xb: {  	s7 =	smax.u32 s8, $0x1;
	s8 =	sadd.s32 $0xC800, s9;
	s9 =	simm.s32 $0x2  }
.LBB2_1:
0xc: {  	s14 =	sand.u32 $0xF, s4  }
0xd: {  	p0 =	sne.s32 s14, s0  }
0xe: {  	s16 =	simm.s32 $0x1;
	s14 =	sshll.u32 @!p0 s0, $0x6  }
0xf: {  	s15 =	sshrl.u32 @!p0 s3, $0x3;
	s17 =	simm.s32 @!p0 $0x2;
	s14 =	sor.u32 @!p0 $0x1C02, s14  }
0x10: {  	[spmem:s15], [sflag:s14] =	dma.local @!p0 [hbm:s2], $0x1900  }
0x11: {  	s18 =	sand.u32 $0xF, s16;
	s16 =	sadd.s32 $0xC800, s3;
	_ =	swait.ge @!p0 [sflag:s17], $0x1900  }
0x12: {  	s15 =	simm.s32 $0x2;
	s14 =	sadd.s32 $0x1900, s2;
	[sflag:s17] =	ssyncset.done @!p0 $0x0  }
.LBB2_2:
0x13: {  	[sflag:s17] =	ssyncadd.s32 @!p0 $0xFFFFE700  }
0x14: {  	p0 =	sne.s32 s18, s0;
	s18 =	smov.u32 s15;
	s15 =	sadd.s32 $0x1, s15  }
0x15: {  	p1 =	sne.s32 s15, $0x19  }
.Ltmp0:
0x16: {  	s17 =	sshll.u32 @!p0 s0, $0x6;
	s19 =	sshrl.u32 @!p0 s16, $0x3;
	(pc) =	sbr.rel @p1 .LBB2_2-.Ltmp0, $4  }
0x17: {  	s20 =	sor.u32 @!p0 $0x1C02, s17;
	s17 =	simm.s32 @!p0 $0x2  }
0x18: {  	[spmem:s19], [sflag:s20] =	dma.local @!p0 [hbm:s14], $0x1900  }
0x19: {  	s14 =	sadd.s32 $0x1900, s14;
	_ =	swait.ge @!p0 [sflag:s17], $0x1900  }
0x1a: {  	s18 =	sand.u32 $0xF, s18;
	s16 =	sadd.s32 $0xC800, s16;
	[sflag:s17] =	ssyncset.done @!p0 $0x0  }
0x1b: {  	p1 =	sne.s32 s18, s0  }
0x1c: {  	[sflag:s17] =	ssyncadd.s32 @!p0 $0xFFFFE700;
	s15 =	sshll.u32 @!p1 s0, $0x6  }
0x1d: {  	s16 =	sshrl.u32 @!p1 s16, $0x3;
	s17 =	simm.s32 @!p1 $0x2;
	s15 =	sor.u32 @!p1 $0x1C02, s15  }
0x1e: {  	[spmem:s16], [sflag:s15] =	dma.local @!p1 [hbm:s14], $0x1900  }
0x1f: {  	_ =	swait.ge @!p1 [sflag:s17], $0x1900  }
0x20: {  	[sflag:s17] =	ssyncset.done @!p1 $0x0  }
0x21: {  	s22 =	simm.s32 $0x0;
	[sflag:s17] =	ssyncadd.s32 @!p1 $0xFFFFE700  }
0x22: {  	[tilespmem:s22], [sflag:$0x2] =	stream.linear.gather [hbm4b:s6+s22], $0x2800, $0x38;
	[tilespmem:$0x1A080] =	vst v63  }
0x23: {  	_ =	swait.ge [sflag:s9], $0x2800  }
0x24: {  	[sflag:s9] =	ssyncset.done $0x0  }
0x25: {  	[sflag:s9] =	ssyncadd.s32 $0xFFFFD800  }
0x26: {  	[tilespmem:s10], [sflag:$0x2] =	stream.linear.gather [hbm4b:s5+s22], $0x3E80, $0x38;
	[tilespmem:$0x1A080] =	vst v63  }
0x27: {  	_ =	swait.ge [sflag:s9], $0x3E80  }
0x28: {  	[sflag:s9] =	ssyncset.done $0x0  }
0x29: {  	[sflag:s9] =	ssyncadd.s32 $0xFFFFC180  }
0x2a: {  	s23 =	simm.s32 $0x0;
	[bflag:$0x0] =	sbarrier.arrive $0xFFFF  }
0x2b: {  	[spmem:s3] =	stream.indirect.scatter.add.f32 [tilespmem:s10], [sflag:$0x1], $0x80, s23, s11, $0xb8;
	[tilespmem:$0x1A080] =	vst v63  }
0x2c: {  	s24 =	simm.s32 $0x80  }
0x2d: {  	[spmem:s3] =	stream.indirect.scatter.add.f32 [tilespmem:s10], [sflag:$0x1], $0x80, s24, s11, $0xb8;
	[tilespmem:$0x1A080] =	vst v63  }
0x2e: {  	s25 =	simm.s32 $0x100  }
0x2f: {  	[spmem:s3] =	stream.indirect.scatter.add.f32 [tilespmem:s10], [sflag:$0x1], $0x80, s25, s11, $0xb8;
	[tilespmem:$0x1A080] =	vst v63  }
0x30: {  	s26 =	simm.s32 $0x180  }
0x31: {  	[spmem:s3] =	stream.indirect.scatter.add.f32 [tilespmem:s10], [sflag:$0x1], $0x80, s26, s11, $0xb8;
	[tilespmem:$0x1A080] =	vst v63  }
0x32: {  	s28 =	simm.s32 $0x200  }
0x33: {  	[spmem:s3] =	stream.indirect.scatter.add.f32 [tilespmem:s10], [sflag:$0x1], $0x80, s28, s11, $0xb8;
	[tilespmem:$0x1A080] =	vst v63  }
0x34: {  	s29 =	simm.s32 $0x280  }
0x35: {  	[spmem:s3] =	stream.indirect.scatter.add.f32 [tilespmem:s10], [sflag:$0x1], $0x80, s29, s11, $0xb8;
	[tilespmem:$0x1A080] =	vst v63  }
0x36: {  	s30 =	simm.s32 $0x300  }
0x37: {  	[spmem:s3] =	stream.indirect.scatter.add.f32 [tilespmem:s10], [sflag:$0x1], $0x80, s30, s11, $0xb8;
	[tilespmem:$0x1A080] =	vst v63  }
0x38: {  	s31 =	simm.s32 $0x380  }
0x39: {  	[spmem:s3] =	stream.indirect.scatter.add.f32 [tilespmem:s10], [sflag:$0x1], $0x80, s31, s11, $0xb8;
	[tilespmem:$0x1A080] =	vst v63  }
0x3a: {  	_ =	swait.ge [sflag:s12], $0x3E80  }
0x3b: {  	[sflag:s12] =	ssyncset.done $0x0  }
0x3c: {  	[sflag:s12] =	ssyncadd.s32 $0xFFFFC180  }
0x3d: {  	_ =	swait.ge [sflag:s12], $0x3E80  }
0x3e: {  	[sflag:s12] =	ssyncset.done $0x0  }
0x3f: {  	[sflag:s12] =	ssyncadd.s32 $0xFFFFC180  }
0x40: {  	_ =	swait.ge [sflag:s12], $0x3E80  }
0x41: {  	[sflag:s12] =	ssyncset.done $0x0  }
0x42: {  	[sflag:s12] =	ssyncadd.s32 $0xFFFFC180  }
0x43: {  	_ =	swait.ge [sflag:s12], $0x3E80  }
0x44: {  	[sflag:s12] =	ssyncset.done $0x0  }
0x45: {  	[sflag:s12] =	ssyncadd.s32 $0xFFFFC180  }
0x46: {  	_ =	swait.ge [sflag:s12], $0x3E80  }
0x47: {  	[sflag:s12] =	ssyncset.done $0x0  }
0x48: {  	[sflag:s12] =	ssyncadd.s32 $0xFFFFC180  }
0x49: {  	_ =	swait.ge [sflag:s12], $0x3E80  }
0x4a: {  	[sflag:s12] =	ssyncset.done $0x0  }
0x4b: {  	[sflag:s12] =	ssyncadd.s32 $0xFFFFC180  }
0x4c: {  	_ =	swait.ge [sflag:s12], $0x3E80  }
0x4d: {  	[sflag:s12] =	ssyncset.done $0x0  }
0x4e: {  	[sflag:s12] =	ssyncadd.s32 $0xFFFFC180  }
0x4f: {  	_ =	swait.ge [sflag:s12], $0x3E80  }
0x50: {  	s14 =	simm.s32 $0x1000;
	s16 =	simm.s32 $0x2000;
	[sflag:s12] =	ssyncset.done $0x0  }
.LBB2_4:
0x51: {  	s17 =	sshra.s32 s14, $0x2  }
0x52: {  	[sflag:s12] =	ssyncadd.s32 $0xFFFFC180;
	s14 =	smov.u32 s16;
	s15 =	sadd.s32 $0x1000, s16  }
0x53: {  	[spmem:s3] =	stream.indirect.scatter.add.f32 [tilespmem:s10], [sflag:$0x1], $0x80, s17, s11, $0xb8;
	[tilespmem:$0x1A080] =	vst v63  }
0x54: {  	p0 =	sne.s32 s16, $0x9000;
	s16 =	sadd.s32 $0x80, s17  }
0x55: {  	[spmem:s3] =	stream.indirect.scatter.add.f32 [tilespmem:s10], [sflag:$0x1], $0x80, s16, s11, $0xb8;
	[tilespmem:$0x1A080] =	vst v63  }
0x56: {  	s16 =	sadd.s32 $0x100, s17  }
0x57: {  	[spmem:s3] =	stream.indirect.scatter.add.f32 [tilespmem:s10], [sflag:$0x1], $0x80, s16, s11, $0xb8;
	[tilespmem:$0x1A080] =	vst v63  }
0x58: {  	s16 =	sadd.s32 $0x180, s17  }
0x59: {  	[spmem:s3] =	stream.indirect.scatter.add.f32 [tilespmem:s10], [sflag:$0x1], $0x80, s16, s11, $0xb8;
	[tilespmem:$0x1A080] =	vst v63  }
0x5a: {  	s16 =	sadd.s32 $0x200, s17  }
0x5b: {  	[spmem:s3] =	stream.indirect.scatter.add.f32 [tilespmem:s10], [sflag:$0x1], $0x80, s16, s11, $0xb8;
	[tilespmem:$0x1A080] =	vst v63  }
0x5c: {  	s16 =	sadd.s32 $0x280, s17  }
0x5d: {  	[spmem:s3] =	stream.indirect.scatter.add.f32 [tilespmem:s10], [sflag:$0x1], $0x80, s16, s11, $0xb8;
	[tilespmem:$0x1A080] =	vst v63  }
0x5e: {  	s16 =	sadd.s32 $0x300, s17  }
0x5f: {  	[spmem:s3] =	stream.indirect.scatter.add.f32 [tilespmem:s10], [sflag:$0x1], $0x80, s16, s11, $0xb8;
	[tilespmem:$0x1A080] =	vst v63  }
0x60: {  	s16 =	sadd.s32 $0x380, s17  }
0x61: {  	[spmem:s3] =	stream.indirect.scatter.add.f32 [tilespmem:s10], [sflag:$0x1], $0x80, s16, s11, $0xb8;
	[tilespmem:$0x1A080] =	vst v63  }
0x62: {  	_ =	swait.ge [sflag:s12], $0x3E80  }
0x63: {  	[sflag:s12] =	ssyncset.done $0x0  }
0x64: {  	[sflag:s12] =	ssyncadd.s32 $0xFFFFC180  }
0x65: {  	_ =	swait.ge [sflag:s12], $0x3E80  }
0x66: {  	[sflag:s12] =	ssyncset.done $0x0  }
0x67: {  	[sflag:s12] =	ssyncadd.s32 $0xFFFFC180  }
0x68: {  	_ =	swait.ge [sflag:s12], $0x3E80  }
0x69: {  	[sflag:s12] =	ssyncset.done $0x0  }
0x6a: {  	[sflag:s12] =	ssyncadd.s32 $0xFFFFC180  }
0x6b: {  	_ =	swait.ge [sflag:s12], $0x3E80  }
0x6c: {  	[sflag:s12] =	ssyncset.done $0x0  }
0x6d: {  	[sflag:s12] =	ssyncadd.s32 $0xFFFFC180  }
0x6e: {  	_ =	swait.ge [sflag:s12], $0x3E80  }
0x6f: {  	[sflag:s12] =	ssyncset.done $0x0  }
0x70: {  	[sflag:s12] =	ssyncadd.s32 $0xFFFFC180  }
0x71: {  	_ =	swait.ge [sflag:s12], $0x3E80  }
0x72: {  	[sflag:s12] =	ssyncset.done $0x0  }
0x73: {  	[sflag:s12] =	ssyncadd.s32 $0xFFFFC180  }
.Ltmp1:
0x74: {  	_ =	swait.ge [sflag:s12], $0x3E80;
	(pc) =	sbr.rel @p0 .LBB2_4-.Ltmp1, $4  }
0x75: {  	[sflag:s12] =	ssyncset.done $0x0  }
0x76: {  	[sflag:s12] =	ssyncadd.s32 $0xFFFFC180  }
0x77: {  	_ =	swait.ge [sflag:s12], $0x3E80  }
0x78: {  	s16 =	smov.u32 s15;
	[sflag:s12] =	ssyncset.done $0x0  }
0x79: {  	s14 =	sshra.s32 s14, $0x2;
	[sflag:s12] =	ssyncadd.s32 $0xFFFFC180  }
0x7a: {  	[spmem:s3] =	stream.indirect.scatter.add.f32 [tilespmem:s10], [sflag:$0x1], $0x80, s14, s11, $0xb8;
	[tilespmem:$0x1A080] =	vst v63  }
0x7b: {  	s15 =	sadd.s32 $0x80, s14  }
0x7c: {  	[spmem:s3] =	stream.indirect.scatter.add.f32 [tilespmem:s10], [sflag:$0x1], $0x80, s15, s11, $0xb8;
	[tilespmem:$0x1A080] =	vst v63  }
0x7d: {  	s25 =	sadd.s32 $0x100, s14  }
0x7e: {  	[spmem:s3] =	stream.indirect.scatter.add.f32 [tilespmem:s10], [sflag:$0x1], $0x80, s25, s11, $0xb8;
	[tilespmem:$0x1A080] =	vst v63  }
0x7f: {  	s26 =	sadd.s32 $0x180, s14  }
0x80: {  	[spmem:s3] =	stream.indirect.scatter.add.f32 [tilespmem:s10], [sflag:$0x1], $0x80, s26, s11, $0xb8;
	[tilespmem:$0x1A080] =	vst v63  }
0x81: {  	s28 =	sadd.s32 $0x200, s14  }
0x82: {  	[spmem:s3] =	stream.indirect.scatter.add.f32 [tilespmem:s10], [sflag:$0x1], $0x80, s28, s11, $0xb8;
	[tilespmem:$0x1A080] =	vst v63  }
0x83: {  	s29 =	sadd.s32 $0x280, s14  }
0x84: {  	[spmem:s3] =	stream.indirect.scatter.add.f32 [tilespmem:s10], [sflag:$0x1], $0x80, s29, s11, $0xb8;
	[tilespmem:$0x1A080] =	vst v63  }
0x85: {  	s30 =	sadd.s32 $0x300, s14  }
0x86: {  	[spmem:s3] =	stream.indirect.scatter.add.f32 [tilespmem:s10], [sflag:$0x1], $0x80, s30, s11, $0xb8;
	[tilespmem:$0x1A080] =	vst v63  }
0x87: {  	s14 =	sadd.s32 $0x380, s14  }
0x88: {  	[spmem:s3] =	stream.indirect.scatter.add.f32 [tilespmem:s10], [sflag:$0x1], $0x80, s14, s11, $0xb8;
	[tilespmem:$0x1A080] =	vst v63  }
0x89: {  	_ =	swait.ge [sflag:s12], $0x3E80  }
0x8a: {  	[sflag:s12] =	ssyncset.done $0x0  }
0x8b: {  	[sflag:s12] =	ssyncadd.s32 $0xFFFFC180  }
0x8c: {  	_ =	swait.ge [sflag:s12], $0x3E80  }
0x8d: {  	[sflag:s12] =	ssyncset.done $0x0  }
0x8e: {  	[sflag:s12] =	ssyncadd.s32 $0xFFFFC180  }
0x8f: {  	_ =	swait.ge [sflag:s12], $0x3E80  }
0x90: {  	[sflag:s12] =	ssyncset.done $0x0  }
0x91: {  	[sflag:s12] =	ssyncadd.s32 $0xFFFFC180  }
0x92: {  	_ =	swait.ge [sflag:s12], $0x3E80  }
0x93: {  	[sflag:s12] =	ssyncset.done $0x0  }
0x94: {  	[sflag:s12] =	ssyncadd.s32 $0xFFFFC180  }
0x95: {  	_ =	swait.ge [sflag:s12], $0x3E80  }
0x96: {  	[sflag:s12] =	ssyncset.done $0x0  }
0x97: {  	[sflag:s12] =	ssyncadd.s32 $0xFFFFC180  }
0x98: {  	_ =	swait.ge [sflag:s12], $0x3E80  }
0x99: {  	[sflag:s12] =	ssyncset.done $0x0  }
0x9a: {  	[sflag:s12] =	ssyncadd.s32 $0xFFFFC180  }
0x9b: {  	_ =	swait.ge [sflag:s12], $0x3E80  }
0x9c: {  	[sflag:s12] =	ssyncset.done $0x0  }
0x9d: {  	s31 =	simm.s32 $0x0;
	[sflag:s12] =	ssyncadd.s32 $0xFFFFC180  }
0x9e: {  	s14 =	sand.u32 $0xF, s31;
	_ =	swait.ge [sflag:s12], $0x3E80  }
0x9f: {  	s16 =	simm.s32 $0x1;
	p0 =	sne.s32 s14, s0;
	[sflag:s12] =	ssyncset.done $0x0  }
0xa0: {  	s14 =	sshll.u32 @!p0 s0, $0x6;
	s15 =	sshrl.u32 @!p0 s3, $0x3;
	[sflag:s12] =	ssyncadd.s32 $0xFFFFC180  }
0xa1: {  	s17 =	simm.s32 @!p0 $0x2;
	s14 =	sor.u32 @!p0 $0x1C02, s14;
	[bflag:$0x0] =	sbarrier.arrive $0xFFFF  }
0xa2: {  	[hbm:s8], [sflag:s14] =	dma.local @!p0 [spmem:s15], $0x1900  }
0xa3: {  	s18 =	sand.u32 $0xF, s16;
	s16 =	sadd.s32 $0xC800, s3;
	_ =	swait.ge @!p0 [sflag:s17], $0x1900  }
0xa4: {  	s15 =	simm.s32 $0x2;
	s14 =	sadd.s32 $0x1900, s8;
	[sflag:s17] =	ssyncset.done @!p0 $0x0  }
.LBB2_6:
0xa5: {  	[sflag:s17] =	ssyncadd.s32 @!p0 $0xFFFFE700  }
0xa6: {  	p0 =	sne.s32 s18, s0;
	s18 =	smov.u32 s15;
	s15 =	sadd.s32 $0x1, s15  }
0xa7: {  	p1 =	sne.s32 s15, $0x19  }
.Ltmp2:
0xa8: {  	s17 =	sshll.u32 @!p0 s0, $0x6;
	s19 =	sshrl.u32 @!p0 s16, $0x3;
	(pc) =	sbr.rel @p1 .LBB2_6-.Ltmp2, $4  }
0xa9: {  	s20 =	sor.u32 @!p0 $0x1C02, s17;
	s17 =	simm.s32 @!p0 $0x2  }
0xaa: {  	[hbm:s14], [sflag:s20] =	dma.local @!p0 [spmem:s19], $0x1900  }
0xab: {  	s14 =	sadd.s32 $0x1900, s14;
	_ =	swait.ge @!p0 [sflag:s17], $0x1900  }
0xac: {  	s18 =	sand.u32 $0xF, s18;
	s16 =	sadd.s32 $0xC800, s16;
	[sflag:s17] =	ssyncset.done @!p0 $0x0  }
0xad: {  	p1 =	sne.s32 s18, s0;
	[sflag:s17] =	ssyncadd.s32 @!p0 $0xFFFFE700;
	s13 =	sadd.s32 $0x1, s13  }
0xae: {  	s15 =	sshll.u32 @!p1 s0, $0x6;
	s16 =	sshrl.u32 @!p1 s16, $0x3;
	p0 =	sne.s32 s13, s7  }
.Ltmp3:
0xaf: {  	s17 =	simm.s32 @!p1 $0x2;
	s15 =	sor.u32 @!p1 $0x1C02, s15;
	(pc) =	sbr.rel @p0 .LBB2_1-.Ltmp3, $4  }
0xb0: {  	[hbm:s14], [sflag:s15] =	dma.local @!p1 [spmem:s16], $0x1900  }
0xb1: {  	_ =	swait.ge @!p1 [sflag:s17], $0x1900  }
0xb2: {  	[sflag:s17] =	ssyncset.done @!p1 $0x0  }
0xb3: {  	[sflag:s17] =	ssyncadd.s32 @!p1 $0xFFFFE700  }
0xb4: {  	_ =	sfence.sel $0x180000  }
0xb5: {  	[bflag:$0x0] =	sbarrier.arrive $0xFFFF  }
0xb6: {  	p0 =	sne.s32 s0, $0x0;
	_ =	strace $0x90000047  }
0xb7: {  	s0 =	sadd.s32 @!p0 $0x100000, s1;
	[bflag:$0x2] =	sbarrier.arrive $0xFFFF  }
0xb8: {  	[sflag:s0] =	ssyncadd.tile.s32 @!p0 $0x1;
	_ =	shalt  }
.Lfunc_end2:
_tile_overlayer_lowered:
.L_overlay_start_2:
0xb9: {  	(tag) =	ssettag $0x2  }
0xba: {  	s0 =	rddreg [dreg:$0x0];
	s2 =	stileid.u32  }
0xbb: {  	s1 =	rddreg [dreg:$0x1];
	p0 =	sne.s32 s2, $0x0  }
0xbc: {  	s3 =	rddreg [dreg:$0x2];
	[bflag:$0x3] =	sbarrier.arrive $0xFFFF;
	s2 =	simm.s32 @!p0 $0x1C02  }
0xbd: {  	[timem:s3], [sflag:s2] =	dma.local @!p0 [hbm:s0], s1  }
0xbe: {  	s0 =	simm.s32 @!p0 $0x2  }
0xbf: {  	_ =	swait.ge @!p0 [sflag:s0], s1  }
0xc0: {  	s1 =	ssub.s32 @!p0 $0x0, s1;
	[sflag:s0] =	ssyncset.done @!p0 $0x0  }
0xc1: {  	[sflag:s0] =	ssyncadd.s32 @!p0 s1  }
0xc2: {  	[bflag:$0x3] =	sbarrier.arrive $0xFFFF  }
0xc3: {  	_ =	shalt  }

</sc_bundles>
